<compile_context>
chip_gen: v7x
topology: tpu7x:2x2x1
jax: 0.10.2.dev20260603
libtpu: 0.0.44.dev20260713+nightly
codegen_flags: <defaults>
</compile_context>

<pallas_src>
import functools

import jax
import jax.numpy as jnp
from jax import lax
from jax.experimental import pallas as pl
from jax.experimental.pallas import tpu as pltpu
from jax.experimental.pallas import tpu_sc as plsc

_NUM_CLASS = 1024
_NUM_FEAT = 8192
_DIM = 64
_TOP_K = 3
_COMMIT = 0.25
_T = 257
_B = 16
_KTOT = _NUM_CLASS + _NUM_FEAT
_FMAX = float(jnp.finfo(jnp.float32).max)
_TBLK = 8
_ROWS = _TBLK * _B
_NSTEP = (_T + _TBLK - 1) // _TBLK


def _top3(d, width):
    iot = lax.broadcasted_iota(jnp.int32, d.shape, 1)
    cur = d
    vals, idxs = [], []
    for _ in range(_TOP_K):
        m = jnp.min(cur, axis=1, keepdims=True)
        ii = jnp.argmin(cur, axis=1, keepdims=True).astype(jnp.int32)
        vals.append(m)
        idxs.append(ii)
        cur = jnp.where(iot == ii, _FMAX, cur)
    onehot = (d <= vals[2]).astype(jnp.float32)
    return vals, idxs, onehot


def _pack3(idxs, rows):
    lane = lax.broadcasted_iota(jnp.int32, (rows, _TOP_K), 1)
    return jnp.where(lane == 0, idxs[0],
                     jnp.where(lane == 1, idxs[1], idxs[2]))


def _tc_body(feat_ref, ccb_ref, fcb_ref,
             dist_ref, idx_ref, loss_ref, cperp_ref, fperp_ref,
             c2f, cnt_c, cnt_f, csum, fsum):
    i = pl.program_id(0)

    @pl.when(i == 0)
    def _init():
        fcb = fcb_ref[...]
        c2f[...] = jnp.sum(fcb * fcb, axis=1)[None, :]
        cnt_f[...] = jnp.zeros((1, _NUM_FEAT), jnp.float32)
        fsum[...] = jnp.zeros((1, 1), jnp.float32)

    x = feat_ref[...]
    m = lax.dot_general(x, fcb_ref[...], (((1,), (1,)), ((), ())),
                        preferred_element_type=jnp.float32)
    x2 = jnp.sum(x * x, axis=1, keepdims=True)
    d = (x2 + c2f[...]) - 2.0 * m

    vals, idxs, onehot = _top3(d, _NUM_FEAT)
    r = lax.broadcasted_iota(jnp.int32, (_ROWS, 1), 0)
    tk = _ROWS * i + r
    valid = (tk >= _B) & (tk < _T * _B)
    cnt_f[...] += jnp.sum(onehot * valid.astype(jnp.float32), axis=0,
                          keepdims=True)
    fsum[...] += jnp.sum(jnp.where(valid, vals[0] + vals[1] + vals[2], 0.0))

    dist_ref[:, :_NUM_CLASS] = jnp.full((_ROWS, _NUM_CLASS), _FMAX,
                                        jnp.float32)
    dist_ref[:, _NUM_CLASS:] = d
    idx_ref[...] = _pack3(idxs, _ROWS) + _NUM_CLASS

    @pl.when(i == 0)
    def _class_part():
        xc = feat_ref[:_B, :]
        mc = lax.dot_general(xc, ccb_ref[...], (((1,), (1,)), ((), ())),
                             preferred_element_type=jnp.float32)
        xc2 = jnp.sum(xc * xc, axis=1, keepdims=True)
        ccb = ccb_ref[...]
        c2c = jnp.sum(ccb * ccb, axis=1)
        dc = (xc2 + c2c[None, :]) - 2.0 * mc
        vals_c, idxs_c, onehot_c = _top3(dc, _NUM_CLASS)
        dist_ref[:_B, :_NUM_CLASS] = dc
        dist_ref[:_B, _NUM_CLASS:] = jnp.full((_B, _NUM_FEAT), _FMAX,
                                              jnp.float32)
        idx_ref[:_B, :] = _pack3(idxs_c, _B)
        cnt_c[...] = onehot_c
        csum[...] = jnp.broadcast_to(
            jnp.sum(vals_c[0] + vals_c[1] + vals_c[2]), (1, 1))

    @pl.when(i == _NSTEP - 1)
    def _finalize():
        n_c = float(_B * _TOP_K * _DIM)
        n_f = float((_T - 1) * _B * _TOP_K * _DIM)
        loss_ref[...] = _COMMIT * (csum[...] / n_c + fsum[...] / n_f)
        avg_c = jnp.sum(cnt_c[...], axis=0, keepdims=True) / float(_B)
        s_c = jnp.sum(avg_c * jnp.log(avg_c + 1e-10))
        cperp_ref[...] = jnp.exp(jnp.broadcast_to(-s_c, (1, 1)))
        avg_f = cnt_f[...] / float((_T - 1) * _B)
        s_f = jnp.sum(avg_f * jnp.log(avg_f + 1e-10))
        fperp_ref[...] = jnp.exp(jnp.broadcast_to(-s_f, (1, 1)))


def _tc_call(features, class_codebook, feature_codebook):
    return pl.pallas_call(
        _tc_body,
        grid=(_NSTEP,),
        in_specs=[
            pl.BlockSpec((_ROWS, _DIM), lambda i: (i, 0)),
            pl.BlockSpec((_NUM_CLASS, _DIM), lambda i: (0, 0)),
            pl.BlockSpec((_NUM_FEAT, _DIM), lambda i: (0, 0)),
        ],
        out_specs=[
            pl.BlockSpec((_ROWS, _KTOT), lambda i: (i, 0)),
            pl.BlockSpec((_ROWS, _TOP_K), lambda i: (i, 0)),
            pl.BlockSpec((1, 1), lambda i: (0, 0)),
            pl.BlockSpec((1, 1), lambda i: (0, 0)),
            pl.BlockSpec((1, 1), lambda i: (0, 0)),
        ],
        out_shape=[
            jax.ShapeDtypeStruct((_T * _B, _KTOT), jnp.float32),
            jax.ShapeDtypeStruct((_T * _B, _TOP_K), jnp.int32),
            jax.ShapeDtypeStruct((1, 1), jnp.float32),
            jax.ShapeDtypeStruct((1, 1), jnp.float32),
            jax.ShapeDtypeStruct((1, 1), jnp.float32),
        ],
        scratch_shapes=[
            pltpu.VMEM((1, _NUM_FEAT), jnp.float32),
            pltpu.VMEM((_B, _NUM_CLASS), jnp.float32),
            pltpu.VMEM((1, _NUM_FEAT), jnp.float32),
            pltpu.VMEM((1, 1), jnp.float32),
            pltpu.VMEM((1, 1), jnp.float32),
        ],
        compiler_params=pltpu.CompilerParams(
            dimension_semantics=("arbitrary",)),
    )(features, class_codebook, feature_codebook)


_GATHER_CHUNK = 56


def _sc_gather(table, idx):
    info = plsc.get_sparse_core_info()
    ncores, nsub = info.num_cores, info.num_subcores
    nw = ncores * nsub
    bpw = idx.shape[0] // nw
    dim = table.shape[1]
    mesh = plsc.VectorSubcoreMesh(core_axis_name="c", subcore_axis_name="s")

    @functools.partial(
        pl.kernel, mesh=mesh,
        out_type=jax.ShapeDtypeStruct((idx.shape[0], dim), jnp.float32),
        scratch_types=[
            pltpu.VMEM((bpw,), jnp.int32),
            pltpu.VMEM((bpw, dim), jnp.float32),
            pltpu.SemaphoreType.DMA,
        ],
    )
    def k(table_hbm, idx_hbm, out_hbm, idx_v, rows_v, sem):
        wid = lax.axis_index("s") * ncores + lax.axis_index("c")
        base = wid * bpw
        pltpu.sync_copy(idx_hbm.at[pl.ds(base, bpw)], idx_v)
        for j in range(bpw // _GATHER_CHUNK):
            off = j * _GATHER_CHUNK
            pltpu.async_copy(
                table_hbm.at[idx_v.at[pl.ds(off, _GATHER_CHUNK)]],
                rows_v.at[pl.ds(off, _GATHER_CHUNK)], sem).wait()
        pltpu.sync_copy(rows_v, out_hbm.at[pl.ds(base, bpw)])

    return k(table, idx)


def kernel(features, class_codebook, feature_codebook):
    dist2, idx2, loss11, cperp11, fperp11 = _tc_call(
        features.reshape(_T * _B, _DIM), class_codebook, feature_codebook)
    distances = dist2.reshape(_T, _B, _KTOT)
    indices = idx2.reshape(_T, _B, _TOP_K)

    combined = jnp.concatenate([class_codebook, feature_codebook], axis=0)
    combined = jnp.pad(combined, ((0, 0), (0, 128 - _DIM)))
    nidx = _T * _B * _TOP_K
    npad = 12544
    flat_idx = jnp.concatenate(
        [indices.reshape(-1), jnp.zeros((npad - nidx,), jnp.int32)])
    rows = _sc_gather(combined, flat_idx)
    quantized = rows[:nidx, :_DIM].reshape(_T, _B, _TOP_K, _DIM)

    return (loss11[0, 0], quantized, cperp11[0, 0], fperp11[0, 0],
            indices, distances)

# --- scband reference (transcript-rebuilt; emitter-appended) ---
"""Pipeline reference for scband-feature-quantizer-2130303779235 (READ-ONLY COPY).

The authoritative reference and input builder live on the scoring server;
editing this copy changes nothing except your own understanding.
"""

import jax, jax.numpy as jnp
import numpy as np

NUM_CLASS = 1024
NUM_FEAT = 8192
DIM = 64
TOP_K = 3
COMMIT = 0.25


def setup_inputs(seed: int = 0) -> dict:
    key = jax.random.key(seed)
    k1, k2, k3 = jax.random.split(key, 3)
    features = jax.random.normal(k1, (257, 16, DIM), dtype=jnp.float32)
    class_codebook = jax.random.normal(k2, (NUM_CLASS, DIM), dtype=jnp.float32)
    feature_codebook = jax.random.normal(k3, (NUM_FEAT, DIM), dtype=jnp.float32)
    return {"features": features, "class_codebook": class_codebook, "feature_codebook": feature_codebook}


def _vq(inputs, codebook):
    # inputs: (T, B, C); eval-mode VectorQuantizerEMA forward (no EMA update, no reset)
    T, B, C = inputs.shape
    K = codebook.shape[0]
    flat = inputs.reshape(-1, C)
    dist = (jnp.sum(flat ** 2, axis=1, keepdims=True)
            + jnp.sum(codebook ** 2, axis=1)
            - 2.0 * (flat @ codebook.T))
    _, idx = jax.lax.top_k(-dist, TOP_K)  # k smallest distances
    N = flat.shape[0]
    encodings = jnp.zeros((N, K), dtype=jnp.float32).at[jnp.arange(N)[:, None], idx].set(1.0)
    quantized = jnp.take(codebook, idx, axis=0)  # (N, k, C) embedding gather
    quantized = quantized.reshape(T, B, TOP_K, C)
    inputs_rep = jnp.broadcast_to(inputs[:, :, None, :], (T, B, TOP_K, C))
    e_latent_loss = jnp.mean((jax.lax.stop_gradient(quantized) - inputs_rep) ** 2)
    loss = COMMIT * e_latent_loss
    quantized_st = inputs_rep + jax.lax.stop_gradient(quantized - inputs_rep)
    avg_probs = jnp.mean(encodings, axis=0)
    perplexity = jnp.exp(-jnp.sum(avg_probs * jnp.log(avg_probs + 1e-10)))
    return loss, quantized_st, perplexity, avg_probs, idx, dist


def reference(features, class_codebook, feature_codebook):
    c_loss, q_class, c_perp, c_avg, c_idx, c_dist = _vq(features[0][None], class_codebook)
    f_loss, q_feat, f_perp, f_avg, f_idx, f_dist = _vq(features[1:], feature_codebook)
    Kc = class_codebook.shape[0]
    Kf = feature_codebook.shape[0]
    class_indices = c_idx.reshape(q_class.shape[0], q_class.shape[1], TOP_K)
    feature_indices = (f_idx + Kc).reshape(q_feat.shape[0], q_feat.shape[1], TOP_K)
    c_dist = c_dist.reshape(q_class.shape[0], q_class.shape[1], -1)
    f_dist = f_dist.reshape(q_feat.shape[0], q_feat.shape[1], -1)
    fmax = jnp.finfo(jnp.float32).max
    c_dist = jnp.concatenate([c_dist, jnp.full((c_dist.shape[0], c_dist.shape[1], Kf), fmax, dtype=jnp.float32)], axis=-1)
    f_dist = jnp.concatenate([jnp.full((f_dist.shape[0], f_dist.shape[1], Kc), fmax, dtype=jnp.float32), f_dist], axis=-1)
    distances = jnp.concatenate([c_dist, f_dist], axis=0)
    quantized = jnp.concatenate([q_class, q_feat], axis=0)
    indices = jnp.concatenate([class_indices, feature_indices], axis=0)
    loss = c_loss + f_loss
    return (loss, quantized, c_perp, f_perp, indices, distances)

if __name__ == "__main__":
    import jax
    _d = setup_inputs()
    print(jax.jit(kernel)(*tuple(_d.values())))

</pallas_src>

<mosaic_0001>
#map = affine_map<(d0, d1) -> (0, 0)>
#map1 = affine_map<(d0, d1) -> (0)>
module attributes {stable_mosaic.version = 14 : i64} {
  func.func @k(%arg0: i32, %arg1: i32, %arg2: memref<9216x128xf32, #tpu.memory_space<hbm>>, %arg3: memref<12544xi32, #tpu.memory_space<hbm>>, %arg4: memref<12544x128xf32, #tpu.memory_space<hbm>>, %arg5: memref<392xi32, #tpu.memory_space<vmem>>, %arg6: memref<392x128xf32, #tpu.memory_space<vmem>>, %arg7: memref<!tpu.dma_semaphore, #tpu.memory_space<semaphore_mem>>) attributes {dimension_semantics = [#tpu.dimension_semantics<core_parallel>, #tpu.dimension_semantics<subcore_parallel>], iteration_bounds = array<i64: 2, 16>, scalar_prefetch = 0 : i64, scratch_operands = 3 : i64, tpu.core_type = #tpu.core_type<sc_vector_subcore>, window_params = [{transform_indices = #map}, {transform_indices = #map1}, {transform_indices = #map}]} {
    %mul3A = arith.constant 2 : i32
    %mul3A_0 = arith.muli %arg1, %mul3A : i32
    %add3A = arith.addi %mul3A_0, %arg0 : i32
    %mul3A_1 = arith.constant 392 : i32
    %mul3A_2 = arith.muli %add3A, %mul3A_1 : i32
    "tpu.region"() ({
      %run_scoped3A = tpu.sem_alloc : memref<!tpu.dma_semaphore, #tpu.memory_space<semaphore_mem>>
      %dma_start3A_113 = tpu.memref_slice %arg3[%mul3A_2] : memref<12544xi32, #tpu.memory_space<hbm>> -> memref<392xi32, #tpu.memory_space<hbm>>
      %dma_start3A_114 = tpu.memref_slice %arg3[%mul3A_2] : memref<12544xi32, #tpu.memory_space<hbm>> -> memref<392xi32, #tpu.memory_space<hbm>>
      tpu.enqueue_dma source(%dma_start3A_114 : memref<392xi32, #tpu.memory_space<hbm>>) target(%arg5 : memref<392xi32, #tpu.memory_space<vmem>>) target_semaphore(%run_scoped3A : memref<!tpu.dma_semaphore, #tpu.memory_space<semaphore_mem>>)
      %dma_wait3A_115 = tpu.memref_slice %arg3[%mul3A_2] : memref<12544xi32, #tpu.memory_space<hbm>> -> memref<392xi32, #tpu.memory_space<hbm>>
      %dma_wait3A_116 = tpu.memref_slice %arg3[%mul3A_2] : memref<12544xi32, #tpu.memory_space<hbm>> -> memref<392xi32, #tpu.memory_space<hbm>>
      tpu.wait_dma2 semaphore(%run_scoped3A : memref<!tpu.dma_semaphore, #tpu.memory_space<semaphore_mem>>) src(%dma_wait3A_116 : memref<392xi32, #tpu.memory_space<hbm>>) dst(%arg5 : memref<392xi32, #tpu.memory_space<vmem>>)
      tpu.yield
    }) : () -> ()
    %dma_start3A = arith.constant 0 : i32
    %dma_start3A_3 = arith.constant 0 : i32
    %dma_start3A_4 = tpu.memref_slice %arg6[%dma_start3A, %dma_start3A_3] : memref<392x128xf32, #tpu.memory_space<vmem>> -> memref<56x128xf32, #tpu.memory_space<vmem>>
    %dma_start3A_5 = arith.constant 0 : i32
    %dma_start3A_6 = tpu.memref_slice %arg5[%dma_start3A_5] : memref<392xi32, #tpu.memory_space<vmem>> -> memref<56xi32, #tpu.memory_space<vmem>>
    %dma_start3A_7 = arith.constant 0 : i32
    %dma_start3A_8 = arith.constant 0 : i32
    %dma_start3A_9 = tpu.memref_slice %arg2[%dma_start3A_7, %dma_start3A_8] : memref<9216x128xf32, #tpu.memory_space<hbm>> -> memref<9216x128xf32, #tpu.memory_space<hbm>>
    tpu.enqueue_indirect_dma source(%dma_start3A_9 : memref<9216x128xf32, #tpu.memory_space<hbm>>) target(%dma_start3A_4 : memref<56x128xf32, #tpu.memory_space<vmem>>) offsets(%dma_start3A_6 : memref<56xi32, #tpu.memory_space<vmem>>) semaphore(%arg7 : memref<!tpu.dma_semaphore, #tpu.memory_space<semaphore_mem>>)
    %dma_wait3A = arith.constant 0 : i32
    %dma_wait3A_10 = arith.constant 0 : i32
    %dma_wait3A_11 = tpu.memref_slice %arg6[%dma_wait3A, %dma_wait3A_10] : memref<392x128xf32, #tpu.memory_space<vmem>> -> memref<56x128xf32, #tpu.memory_space<vmem>>
    %dma_wait3A_12 = arith.constant 0 : i32
    %dma_wait3A_13 = tpu.memref_slice %arg5[%dma_wait3A_12] : memref<392xi32, #tpu.memory_space<vmem>> -> memref<56xi32, #tpu.memory_space<vmem>>
    %dma_wait3A_14 = arith.constant 0 : i32
    %dma_wait3A_15 = arith.constant 0 : i32
    %dma_wait3A_16 = tpu.memref_slice %arg2[%dma_wait3A_14, %dma_wait3A_15] : memref<9216x128xf32, #tpu.memory_space<hbm>> -> memref<9216x128xf32, #tpu.memory_space<hbm>>
    tpu.wait_indirect_dma semaphore(%arg7 : memref<!tpu.dma_semaphore, #tpu.memory_space<semaphore_mem>>) src(%dma_wait3A_16 : memref<9216x128xf32, #tpu.memory_space<hbm>>) dst(%dma_wait3A_11 : memref<56x128xf32, #tpu.memory_space<vmem>>)
    %dma_start3A_17 = arith.constant 56 : i32
    %dma_start3A_18 = arith.constant 0 : i32
    %dma_start3A_19 = tpu.memref_slice %arg6[%dma_start3A_17, %dma_start3A_18] : memref<392x128xf32, #tpu.memory_space<vmem>> -> memref<56x128xf32, #tpu.memory_space<vmem>>
    %dma_start3A_20 = arith.constant 56 : i32
    %dma_start3A_21 = tpu.memref_slice %arg5[%dma_start3A_20] : memref<392xi32, #tpu.memory_space<vmem>> -> memref<56xi32, #tpu.memory_space<vmem>>
    %dma_start3A_22 = arith.constant 0 : i32
    %dma_start3A_23 = arith.constant 0 : i32
    %dma_start3A_24 = tpu.memref_slice %arg2[%dma_start3A_22, %dma_start3A_23] : memref<9216x128xf32, #tpu.memory_space<hbm>> -> memref<9216x128xf32, #tpu.memory_space<hbm>>
    tpu.enqueue_indirect_dma source(%dma_start3A_24 : memref<9216x128xf32, #tpu.memory_space<hbm>>) target(%dma_start3A_19 : memref<56x128xf32, #tpu.memory_space<vmem>>) offsets(%dma_start3A_21 : memref<56xi32, #tpu.memory_space<vmem>>) semaphore(%arg7 : memref<!tpu.dma_semaphore, #tpu.memory_space<semaphore_mem>>)
    %dma_wait3A_25 = arith.constant 56 : i32
    %dma_wait3A_26 = arith.constant 0 : i32
    %dma_wait3A_27 = tpu.memref_slice %arg6[%dma_wait3A_25, %dma_wait3A_26] : memref<392x128xf32, #tpu.memory_space<vmem>> -> memref<56x128xf32, #tpu.memory_space<vmem>>
    %dma_wait3A_28 = arith.constant 56 : i32
    %dma_wait3A_29 = tpu.memref_slice %arg5[%dma_wait3A_28] : memref<392xi32, #tpu.memory_space<vmem>> -> memref<56xi32, #tpu.memory_space<vmem>>
    %dma_wait3A_30 = arith.constant 0 : i32
    %dma_wait3A_31 = arith.constant 0 : i32
    %dma_wait3A_32 = tpu.memref_slice %arg2[%dma_wait3A_30, %dma_wait3A_31] : memref<9216x128xf32, #tpu.memory_space<hbm>> -> memref<9216x128xf32, #tpu.memory_space<hbm>>
    tpu.wait_indirect_dma semaphore(%arg7 : memref<!tpu.dma_semaphore, #tpu.memory_space<semaphore_mem>>) src(%dma_wait3A_32 : memref<9216x128xf32, #tpu.memory_space<hbm>>) dst(%dma_wait3A_27 : memref<56x128xf32, #tpu.memory_space<vmem>>)
    %dma_start3A_33 = arith.constant 112 : i32
    %dma_start3A_34 = arith.constant 0 : i32
    %dma_start3A_35 = tpu.memref_slice %arg6[%dma_start3A_33, %dma_start3A_34] : memref<392x128xf32, #tpu.memory_space<vmem>> -> memref<56x128xf32, #tpu.memory_space<vmem>>
    %dma_start3A_36 = arith.constant 112 : i32
    %dma_start3A_37 = tpu.memref_slice %arg5[%dma_start3A_36] : memref<392xi32, #tpu.memory_space<vmem>> -> memref<56xi32, #tpu.memory_space<vmem>>
    %dma_start3A_38 = arith.constant 0 : i32
    %dma_start3A_39 = arith.constant 0 : i32
    %dma_start3A_40 = tpu.memref_slice %arg2[%dma_start3A_38, %dma_start3A_39] : memref<9216x128xf32, #tpu.memory_space<hbm>> -> memref<9216x128xf32, #tpu.memory_space<hbm>>
    tpu.enqueue_indirect_dma source(%dma_start3A_40 : memref<9216x128xf32, #tpu.memory_space<hbm>>) target(%dma_start3A_35 : memref<56x128xf32, #tpu.memory_space<vmem>>) offsets(%dma_start3A_37 : memref<56xi32, #tpu.memory_space<vmem>>) semaphore(%arg7 : memref<!tpu.dma_semaphore, #tpu.memory_space<semaphore_mem>>)
    %dma_wait3A_41 = arith.constant 112 : i32
    %dma_wait3A_42 = arith.constant 0 : i32
    %dma_wait3A_43 = tpu.memref_slice %arg6[%dma_wait3A_41, %dma_wait3A_42] : memref<392x128xf32, #tpu.memory_space<vmem>> -> memref<56x128xf32, #tpu.memory_space<vmem>>
    %dma_wait3A_44 = arith.constant 112 : i32
    %dma_wait3A_45 = tpu.memref_slice %arg5[%dma_wait3A_44] : memref<392xi32, #tpu.memory_space<vmem>> -> memref<56xi32, #tpu.memory_space<vmem>>
    %dma_wait3A_46 = arith.constant 0 : i32
    %dma_wait3A_47 = arith.constant 0 : i32
    %dma_wait3A_48 = tpu.memref_slice %arg2[%dma_wait3A_46, %dma_wait3A_47] : memref<9216x128xf32, #tpu.memory_space<hbm>> -> memref<9216x128xf32, #tpu.memory_space<hbm>>
    tpu.wait_indirect_dma semaphore(%arg7 : memref<!tpu.dma_semaphore, #tpu.memory_space<semaphore_mem>>) src(%dma_wait3A_48 : memref<9216x128xf32, #tpu.memory_space<hbm>>) dst(%dma_wait3A_43 : memref<56x128xf32, #tpu.memory_space<vmem>>)
    %dma_start3A_49 = arith.constant 168 : i32
    %dma_start3A_50 = arith.constant 0 : i32
    %dma_start3A_51 = tpu.memref_slice %arg6[%dma_start3A_49, %dma_start3A_50] : memref<392x128xf32, #tpu.memory_space<vmem>> -> memref<56x128xf32, #tpu.memory_space<vmem>>
    %dma_start3A_52 = arith.constant 168 : i32
    %dma_start3A_53 = tpu.memref_slice %arg5[%dma_start3A_52] : memref<392xi32, #tpu.memory_space<vmem>> -> memref<56xi32, #tpu.memory_space<vmem>>
    %dma_start3A_54 = arith.constant 0 : i32
    %dma_start3A_55 = arith.constant 0 : i32
    %dma_start3A_56 = tpu.memref_slice %arg2[%dma_start3A_54, %dma_start3A_55] : memref<9216x128xf32, #tpu.memory_space<hbm>> -> memref<9216x128xf32, #tpu.memory_space<hbm>>
    tpu.enqueue_indirect_dma source(%dma_start3A_56 : memref<9216x128xf32, #tpu.memory_space<hbm>>) target(%dma_start3A_51 : memref<56x128xf32, #tpu.memory_space<vmem>>) offsets(%dma_start3A_53 : memref<56xi32, #tpu.memory_space<vmem>>) semaphore(%arg7 : memref<!tpu.dma_semaphore, #tpu.memory_space<semaphore_mem>>)
    %dma_wait3A_57 = arith.constant 168 : i32
    %dma_wait3A_58 = arith.constant 0 : i32
    %dma_wait3A_59 = tpu.memref_slice %arg6[%dma_wait3A_57, %dma_wait3A_58] : memref<392x128xf32, #tpu.memory_space<vmem>> -> memref<56x128xf32, #tpu.memory_space<vmem>>
    %dma_wait3A_60 = arith.constant 168 : i32
    %dma_wait3A_61 = tpu.memref_slice %arg5[%dma_wait3A_60] : memref<392xi32, #tpu.memory_space<vmem>> -> memref<56xi32, #tpu.memory_space<vmem>>
    %dma_wait3A_62 = arith.constant 0 : i32
    %dma_wait3A_63 = arith.constant 0 : i32
    %dma_wait3A_64 = tpu.memref_slice %arg2[%dma_wait3A_62, %dma_wait3A_63] : memref<9216x128xf32, #tpu.memory_space<hbm>> -> memref<9216x128xf32, #tpu.memory_space<hbm>>
    tpu.wait_indirect_dma semaphore(%arg7 : memref<!tpu.dma_semaphore, #tpu.memory_space<semaphore_mem>>) src(%dma_wait3A_64 : memref<9216x128xf32, #tpu.memory_space<hbm>>) dst(%dma_wait3A_59 : memref<56x128xf32, #tpu.memory_space<vmem>>)
    %dma_start3A_65 = arith.constant 224 : i32
    %dma_start3A_66 = arith.constant 0 : i32
    %dma_start3A_67 = tpu.memref_slice %arg6[%dma_start3A_65, %dma_start3A_66] : memref<392x128xf32, #tpu.memory_space<vmem>> -> memref<56x128xf32, #tpu.memory_space<vmem>>
    %dma_start3A_68 = arith.constant 224 : i32
    %dma_start3A_69 = tpu.memref_slice %arg5[%dma_start3A_68] : memref<392xi32, #tpu.memory_space<vmem>> -> memref<56xi32, #tpu.memory_space<vmem>>
    %dma_start3A_70 = arith.constant 0 : i32
    %dma_start3A_71 = arith.constant 0 : i32
    %dma_start3A_72 = tpu.memref_slice %arg2[%dma_start3A_70, %dma_start3A_71] : memref<9216x128xf32, #tpu.memory_space<hbm>> -> memref<9216x128xf32, #tpu.memory_space<hbm>>
    tpu.enqueue_indirect_dma source(%dma_start3A_72 : memref<9216x128xf32, #tpu.memory_space<hbm>>) target(%dma_start3A_67 : memref<56x128xf32, #tpu.memory_space<vmem>>) offsets(%dma_start3A_69 : memref<56xi32, #tpu.memory_space<vmem>>) semaphore(%arg7 : memref<!tpu.dma_semaphore, #tpu.memory_space<semaphore_mem>>)
    %dma_wait3A_73 = arith.constant 224 : i32
    %dma_wait3A_74 = arith.constant 0 : i32
    %dma_wait3A_75 = tpu.memref_slice %arg6[%dma_wait3A_73, %dma_wait3A_74] : memref<392x128xf32, #tpu.memory_space<vmem>> -> memref<56x128xf32, #tpu.memory_space<vmem>>
    %dma_wait3A_76 = arith.constant 224 : i32
    %dma_wait3A_77 = tpu.memref_slice %arg5[%dma_wait3A_76] : memref<392xi32, #tpu.memory_space<vmem>> -> memref<56xi32, #tpu.memory_space<vmem>>
    %dma_wait3A_78 = arith.constant 0 : i32
    %dma_wait3A_79 = arith.constant 0 : i32
    %dma_wait3A_80 = tpu.memref_slice %arg2[%dma_wait3A_78, %dma_wait3A_79] : memref<9216x128xf32, #tpu.memory_space<hbm>> -> memref<9216x128xf32, #tpu.memory_space<hbm>>
    tpu.wait_indirect_dma semaphore(%arg7 : memref<!tpu.dma_semaphore, #tpu.memory_space<semaphore_mem>>) src(%dma_wait3A_80 : memref<9216x128xf32, #tpu.memory_space<hbm>>) dst(%dma_wait3A_75 : memref<56x128xf32, #tpu.memory_space<vmem>>)
    %dma_start3A_81 = arith.constant 280 : i32
    %dma_start3A_82 = arith.constant 0 : i32
    %dma_start3A_83 = tpu.memref_slice %arg6[%dma_start3A_81, %dma_start3A_82] : memref<392x128xf32, #tpu.memory_space<vmem>> -> memref<56x128xf32, #tpu.memory_space<vmem>>
    %dma_start3A_84 = arith.constant 280 : i32
    %dma_start3A_85 = tpu.memref_slice %arg5[%dma_start3A_84] : memref<392xi32, #tpu.memory_space<vmem>> -> memref<56xi32, #tpu.memory_space<vmem>>
    %dma_start3A_86 = arith.constant 0 : i32
    %dma_start3A_87 = arith.constant 0 : i32
    %dma_start3A_88 = tpu.memref_slice %arg2[%dma_start3A_86, %dma_start3A_87] : memref<9216x128xf32, #tpu.memory_space<hbm>> -> memref<9216x128xf32, #tpu.memory_space<hbm>>
    tpu.enqueue_indirect_dma source(%dma_start3A_88 : memref<9216x128xf32, #tpu.memory_space<hbm>>) target(%dma_start3A_83 : memref<56x128xf32, #tpu.memory_space<vmem>>) offsets(%dma_start3A_85 : memref<56xi32, #tpu.memory_space<vmem>>) semaphore(%arg7 : memref<!tpu.dma_semaphore, #tpu.memory_space<semaphore_mem>>)
    %dma_wait3A_89 = arith.constant 280 : i32
    %dma_wait3A_90 = arith.constant 0 : i32
    %dma_wait3A_91 = tpu.memref_slice %arg6[%dma_wait3A_89, %dma_wait3A_90] : memref<392x128xf32, #tpu.memory_space<vmem>> -> memref<56x128xf32, #tpu.memory_space<vmem>>
    %dma_wait3A_92 = arith.constant 280 : i32
    %dma_wait3A_93 = tpu.memref_slice %arg5[%dma_wait3A_92] : memref<392xi32, #tpu.memory_space<vmem>> -> memref<56xi32, #tpu.memory_space<vmem>>
    %dma_wait3A_94 = arith.constant 0 : i32
    %dma_wait3A_95 = arith.constant 0 : i32
    %dma_wait3A_96 = tpu.memref_slice %arg2[%dma_wait3A_94, %dma_wait3A_95] : memref<9216x128xf32, #tpu.memory_space<hbm>> -> memref<9216x128xf32, #tpu.memory_space<hbm>>
    tpu.wait_indirect_dma semaphore(%arg7 : memref<!tpu.dma_semaphore, #tpu.memory_space<semaphore_mem>>) src(%dma_wait3A_96 : memref<9216x128xf32, #tpu.memory_space<hbm>>) dst(%dma_wait3A_91 : memref<56x128xf32, #tpu.memory_space<vmem>>)
    %dma_start3A_97 = arith.constant 336 : i32
    %dma_start3A_98 = arith.constant 0 : i32
    %dma_start3A_99 = tpu.memref_slice %arg6[%dma_start3A_97, %dma_start3A_98] : memref<392x128xf32, #tpu.memory_space<vmem>> -> memref<56x128xf32, #tpu.memory_space<vmem>>
    %dma_start3A_100 = arith.constant 336 : i32
    %dma_start3A_101 = tpu.memref_slice %arg5[%dma_start3A_100] : memref<392xi32, #tpu.memory_space<vmem>> -> memref<56xi32, #tpu.memory_space<vmem>>
    %dma_start3A_102 = arith.constant 0 : i32
    %dma_start3A_103 = arith.constant 0 : i32
    %dma_start3A_104 = tpu.memref_slice %arg2[%dma_start3A_102, %dma_start3A_103] : memref<9216x128xf32, #tpu.memory_space<hbm>> -> memref<9216x128xf32, #tpu.memory_space<hbm>>
    tpu.enqueue_indirect_dma source(%dma_start3A_104 : memref<9216x128xf32, #tpu.memory_space<hbm>>) target(%dma_start3A_99 : memref<56x128xf32, #tpu.memory_space<vmem>>) offsets(%dma_start3A_101 : memref<56xi32, #tpu.memory_space<vmem>>) semaphore(%arg7 : memref<!tpu.dma_semaphore, #tpu.memory_space<semaphore_mem>>)
    %dma_wait3A_105 = arith.constant 336 : i32
    %dma_wait3A_106 = arith.constant 0 : i32
    %dma_wait3A_107 = tpu.memref_slice %arg6[%dma_wait3A_105, %dma_wait3A_106] : memref<392x128xf32, #tpu.memory_space<vmem>> -> memref<56x128xf32, #tpu.memory_space<vmem>>
    %dma_wait3A_108 = arith.constant 336 : i32
    %dma_wait3A_109 = tpu.memref_slice %arg5[%dma_wait3A_108] : memref<392xi32, #tpu.memory_space<vmem>> -> memref<56xi32, #tpu.memory_space<vmem>>
    %dma_wait3A_110 = arith.constant 0 : i32
    %dma_wait3A_111 = arith.constant 0 : i32
    %dma_wait3A_112 = tpu.memref_slice %arg2[%dma_wait3A_110, %dma_wait3A_111] : memref<9216x128xf32, #tpu.memory_space<hbm>> -> memref<9216x128xf32, #tpu.memory_space<hbm>>
    tpu.wait_indirect_dma semaphore(%arg7 : memref<!tpu.dma_semaphore, #tpu.memory_space<semaphore_mem>>) src(%dma_wait3A_112 : memref<9216x128xf32, #tpu.memory_space<hbm>>) dst(%dma_wait3A_107 : memref<56x128xf32, #tpu.memory_space<vmem>>)
    "tpu.region"() ({
      %run_scoped3A = tpu.sem_alloc : memref<!tpu.dma_semaphore, #tpu.memory_space<semaphore_mem>>
      %dma_start3A_113 = arith.constant 0 : i32
      %dma_start3A_114 = tpu.memref_slice %arg4[%mul3A_2, %dma_start3A_113] : memref<12544x128xf32, #tpu.memory_space<hbm>> -> memref<392x128xf32, #tpu.memory_space<hbm>>
      %dma_start3A_115 = arith.constant 0 : i32
      %dma_start3A_116 = tpu.memref_slice %arg4[%mul3A_2, %dma_start3A_115] : memref<12544x128xf32, #tpu.memory_space<hbm>> -> memref<392x128xf32, #tpu.memory_space<hbm>>
      tpu.enqueue_dma source(%arg6 : memref<392x128xf32, #tpu.memory_space<vmem>>) target(%dma_start3A_116 : memref<392x128xf32, #tpu.memory_space<hbm>>) target_semaphore(%run_scoped3A : memref<!tpu.dma_semaphore, #tpu.memory_space<semaphore_mem>>)
      %dma_wait3A_117 = arith.constant 0 : i32
      %dma_wait3A_118 = tpu.memref_slice %arg4[%mul3A_2, %dma_wait3A_117] : memref<12544x128xf32, #tpu.memory_space<hbm>> -> memref<392x128xf32, #tpu.memory_space<hbm>>
      %dma_wait3A_119 = arith.constant 0 : i32
      %dma_wait3A_120 = tpu.memref_slice %arg4[%mul3A_2, %dma_wait3A_119] : memref<12544x128xf32, #tpu.memory_space<hbm>> -> memref<392x128xf32, #tpu.memory_space<hbm>>
      tpu.wait_dma2 semaphore(%run_scoped3A : memref<!tpu.dma_semaphore, #tpu.memory_space<semaphore_mem>>) src(%arg6 : memref<392x128xf32, #tpu.memory_space<vmem>>) dst(%dma_wait3A_120 : memref<392x128xf32, #tpu.memory_space<hbm>>)
      tpu.yield
    }) : () -> ()
    return
  }
}

module attributes {stable_mosaic.version = 14 : i64} {
  func.func @_tc_body(%arg0: i32, %arg1: memref<128x64xf32, #tpu.memory_space<vmem>>, %arg2: memref<1024x64xf32, #tpu.memory_space<vmem>>, %arg3: memref<8192x64xf32, #tpu.memory_space<vmem>>, %arg4: memref<128x9216xf32, #tpu.memory_space<vmem>>, %arg5: memref<128x3xi32, #tpu.memory_space<vmem>>, %arg6: memref<1x1xf32, #tpu.memory_space<vmem>>, %arg7: memref<1x1xf32, #tpu.memory_space<vmem>>, %arg8: memref<1x1xf32, #tpu.memory_space<vmem>>, %arg9: memref<1x8192xf32, #tpu.memory_space<vmem>>, %arg10: memref<16x1024xf32, #tpu.memory_space<vmem>>, %arg11: memref<1x8192xf32, #tpu.memory_space<vmem>>, %arg12: memref<1x1xf32, #tpu.memory_space<vmem>>, %arg13: memref<1x1xf32, #tpu.memory_space<vmem>>) attributes {dimension_semantics = [#tpu.dimension_semantics<arbitrary>], iteration_bounds = array<i64: 33>, scalar_prefetch = 0 : i64, scratch_operands = 5 : i64, tpu.core_type = #tpu.core_type<tc>, window_params = [{transform_indices = @transform_0, window_bounds = array<i64: 128, 64>}, {pipeline_mode = #tpu.pipeline_mode<synchronous>, transform_indices = @transform_1, window_bounds = array<i64: 1024, 64>}, {pipeline_mode = #tpu.pipeline_mode<synchronous>, transform_indices = @transform_2, window_bounds = array<i64: 8192, 64>}, {transform_indices = @transform_3, window_bounds = array<i64: 128, 9216>}, {transform_indices = @transform_4, window_bounds = array<i64: 128, 3>}, {pipeline_mode = #tpu.pipeline_mode<synchronous>, transform_indices = @transform_5, window_bounds = array<i64: 1, 1>}, {pipeline_mode = #tpu.pipeline_mode<synchronous>, transform_indices = @transform_6, window_bounds = array<i64: 1, 1>}, {pipeline_mode = #tpu.pipeline_mode<synchronous>, transform_indices = @transform_7, window_bounds = array<i64: 1, 1>}]} {
    %eq3A = arith.constant 0 : i32
    %eq3A_0 = arith.cmpi eq, %arg0, %eq3A : i32
    %convert_element_type3A = arith.extui %eq3A_0 : i1 to i32
    %cond3A = arith.constant 0 : i32
    %cond3A_1 = arith.cmpi ne, %convert_element_type3A, %cond3A : i32
    scf.if %cond3A_1 {
      %get3A_120 = arith.constant 0 : index
      %get3A_121 = arith.constant 0 : index
      %get3A_122 = vector.load %arg3[%get3A_120, %get3A_121] : memref<8192x64xf32, #tpu.memory_space<vmem>>, vector<8192x64xf32>
      %mul3A_123 = arith.mulf %get3A_122, %get3A_122 : vector<8192x64xf32>
      %reduce_sum3A_124 = arith.constant dense<0.000000e+00> : vector<8192xf32>
      %reduce_sum3A_125 = vector.multi_reduction <add>, %mul3A_123, %reduce_sum3A_124 [1] : vector<8192x64xf32> to vector<8192xf32>
      %broadcast_in_dim3A_126 = vector.shape_cast %reduce_sum3A_125 : vector<8192xf32> to vector<1x8192xf32>
      %swap3A_127 = arith.constant 0 : index
      %swap3A_128 = arith.constant 0 : index
      %swap3A_129 = vector.load %arg9[%swap3A_127, %swap3A_128] : memref<1x8192xf32, #tpu.memory_space<vmem>>, vector<1x8192xf32>
      tpu.vector_store %arg9[%swap3A_127, %swap3A_128], %broadcast_in_dim3A_126 {strides = array<i32>} : memref<1x8192xf32, #tpu.memory_space<vmem>>, vector<1x8192xf32>,
      %broadcast_in_dim3A_130 = arith.constant 0.000000e+00 : f32
      %broadcast_in_dim3A_131 = vector.broadcast %broadcast_in_dim3A_130 : f32 to vector<1x8192xf32>
      %swap3A_132 = arith.constant 0 : index
      %swap3A_133 = arith.constant 0 : index
      %swap3A_134 = vector.load %arg11[%swap3A_132, %swap3A_133] : memref<1x8192xf32, #tpu.memory_space<vmem>>, vector<1x8192xf32>
      tpu.vector_store %arg11[%swap3A_132, %swap3A_133], %broadcast_in_dim3A_131 {strides = array<i32>} : memref<1x8192xf32, #tpu.memory_space<vmem>>, vector<1x8192xf32>,
      %broadcast_in_dim3A_135 = arith.constant 0.000000e+00 : f32
      %broadcast_in_dim3A_136 = vector.broadcast %broadcast_in_dim3A_135 : f32 to vector<1x1xf32>
      %swap3A_137 = arith.constant 0 : index
      %swap3A_138 = arith.constant 0 : index
      %swap3A_139 = vector.load %arg13[%swap3A_137, %swap3A_138] : memref<1x1xf32, #tpu.memory_space<vmem>>, vector<1x1xf32>
      tpu.vector_store %arg13[%swap3A_137, %swap3A_138], %broadcast_in_dim3A_136 {strides = array<i32>} : memref<1x1xf32, #tpu.memory_space<vmem>>, vector<1x1xf32>,
    } else {
    }
    %get3A = arith.constant 0 : index
    %get3A_2 = arith.constant 0 : index
    %get3A_3 = vector.load %arg1[%get3A, %get3A_2] : memref<128x64xf32, #tpu.memory_space<vmem>>, vector<128x64xf32>
    %get3A_4 = arith.constant 0 : index
    %get3A_5 = arith.constant 0 : index
    %get3A_6 = vector.load %arg3[%get3A_4, %get3A_5] : memref<8192x64xf32, #tpu.memory_space<vmem>>, vector<8192x64xf32>
    %dot_general3A = arith.constant dense<0.000000e+00> : vector<128x8192xf32>
    %dot_general3A_7 = tpu.matmul %get3A_3, %get3A_6, %dot_general3A {dimension_numbers = #tpu.dot_dimension_numbers<[1], [1], [0], [0], [0, 0, 1, 0], [], []>, transpose_lhs_hint = false} : vector<128x64xf32>, vector<8192x64xf32>, vector<128x8192xf32> -> vector<128x8192xf32>
    %mul3A = arith.mulf %get3A_3, %get3A_3 : vector<128x64xf32>
    %reduce_sum3A = arith.constant dense<0.000000e+00> : vector<128xf32>
    %reduce_sum3A_8 = vector.multi_reduction <add>, %mul3A, %reduce_sum3A [1] : vector<128x64xf32> to vector<128xf32>
    %broadcast_in_dim3A = vector.shape_cast %reduce_sum3A_8 : vector<128xf32> to vector<128x1xf32>
    %get3A_9 = arith.constant 0 : index
    %get3A_10 = arith.constant 0 : index
    %get3A_11 = vector.load %arg9[%get3A_9, %get3A_10] : memref<1x8192xf32, #tpu.memory_space<vmem>>, vector<1x8192xf32>
    %add3A = vector.broadcast %broadcast_in_dim3A : vector<128x1xf32> to vector<128x8192xf32>
    %add3A_12 = vector.broadcast %get3A_11 : vector<1x8192xf32> to vector<128x8192xf32>
    %add3A_13 = arith.addf %add3A, %add3A_12 : vector<128x8192xf32>
    %mul3A_14 = arith.constant 2.000000e+00 : f32
    %mul3A_15 = vector.broadcast %mul3A_14 : f32 to vector<128x8192xf32>
    %mul3A_16 = arith.mulf %mul3A_15, %dot_general3A_7 : vector<128x8192xf32>
    %sub3A = arith.subf %add3A_13, %mul3A_16 : vector<128x8192xf32>
    %iota3A = tpu.iota {dimensions = array<i32: 1>} : vector<128x8192xi32>
    %reduce_min3A = arith.constant dense<0x7F800000> : vector<128xf32>
    %reduce_min3A_17 = vector.multi_reduction <minimumf>, %sub3A, %reduce_min3A [1] : vector<128x8192xf32> to vector<128xf32>
    %broadcast_in_dim3A_18 = vector.shape_cast %reduce_min3A_17 : vector<128xf32> to vector<128x1xf32>
    %argmin3A = tpu.reduce_index %sub3A {axis = 1 : i32, kind = #tpu.reduction_kind<arg_min>} : vector<128x8192xf32> -> vector<128xi32>
    %broadcast_in_dim3A_19 = vector.shape_cast %argmin3A : vector<128xi32> to vector<128x1xi32>
    %eq3A_20 = vector.broadcast %broadcast_in_dim3A_19 : vector<128x1xi32> to vector<128x8192xi32>
    %eq3A_21 = arith.cmpi eq, %iota3A, %eq3A_20 : vector<128x8192xi32>
    %jit3A = arith.constant 3.40282347E+38 : f32
    %broadcast_in_dim3A_22 = vector.broadcast %jit3A : f32 to vector<128x8192xf32>
    %select_n3A = arith.select %eq3A_21, %broadcast_in_dim3A_22, %sub3A : vector<128x8192xi1>, vector<128x8192xf32>
    %reduce_min3A_23 = arith.constant dense<0x7F800000> : vector<128xf32>
    %reduce_min3A_24 = vector.multi_reduction <minimumf>, %select_n3A, %reduce_min3A_23 [1] : vector<128x8192xf32> to vector<128xf32>
    %broadcast_in_dim3A_25 = vector.shape_cast %reduce_min3A_24 : vector<128xf32> to vector<128x1xf32>
    %argmin3A_26 = tpu.reduce_index %select_n3A {axis = 1 : i32, kind = #tpu.reduction_kind<arg_min>} : vector<128x8192xf32> -> vector<128xi32>
    %broadcast_in_dim3A_27 = vector.shape_cast %argmin3A_26 : vector<128xi32> to vector<128x1xi32>
    %eq3A_28 = vector.broadcast %broadcast_in_dim3A_27 : vector<128x1xi32> to vector<128x8192xi32>
    %eq3A_29 = arith.cmpi eq, %iota3A, %eq3A_28 : vector<128x8192xi32>
    %jit3A_30 = arith.constant 3.40282347E+38 : f32
    %broadcast_in_dim3A_31 = vector.broadcast %jit3A_30 : f32 to vector<128x8192xf32>
    %select_n3A_32 = arith.select %eq3A_29, %broadcast_in_dim3A_31, %select_n3A : vector<128x8192xi1>, vector<128x8192xf32>
    %reduce_min3A_33 = arith.constant dense<0x7F800000> : vector<128xf32>
    %reduce_min3A_34 = vector.multi_reduction <minimumf>, %select_n3A_32, %reduce_min3A_33 [1] : vector<128x8192xf32> to vector<128xf32>
    %broadcast_in_dim3A_35 = vector.shape_cast %reduce_min3A_34 : vector<128xf32> to vector<128x1xf32>
    %argmin3A_36 = tpu.reduce_index %select_n3A_32 {axis = 1 : i32, kind = #tpu.reduction_kind<arg_min>} : vector<128x8192xf32> -> vector<128xi32>
    %broadcast_in_dim3A_37 = vector.shape_cast %argmin3A_36 : vector<128xi32> to vector<128x1xi32>
    %le3A = vector.broadcast %broadcast_in_dim3A_35 : vector<128x1xf32> to vector<128x8192xf32>
    %le3A_38 = arith.cmpf ole, %sub3A, %le3A : vector<128x8192xf32>
    %convert_element_type3A_39 = arith.extui %le3A_38 : vector<128x8192xi1> to vector<128x8192xi32>
    %convert_element_type3A_40 = arith.sitofp %convert_element_type3A_39 : vector<128x8192xi32> to vector<128x8192xf32>
    %iota3A_41 = tpu.iota {dimensions = array<i32: 0>} : vector<128x1xi32>
    %mul3A_42 = arith.constant 128 : i32
    %mul3A_43 = arith.muli %mul3A_42, %arg0 : i32
    %add3A_44 = vector.broadcast %mul3A_43 : i32 to vector<128x1xi32>
    %add3A_45 = arith.addi %add3A_44, %iota3A_41 : vector<128x1xi32>
    %ge3A = arith.constant 16 : i32
    %ge3A_46 = vector.broadcast %ge3A : i32 to vector<128x1xi32>
    %ge3A_47 = arith.cmpi sge, %add3A_45, %ge3A_46 : vector<128x1xi32>
    %lt3A = arith.constant 4112 : i32
    %lt3A_48 = vector.broadcast %lt3A : i32 to vector<128x1xi32>
    %lt3A_49 = arith.cmpi slt, %add3A_45, %lt3A_48 : vector<128x1xi32>
    %and3A = arith.andi %ge3A_47, %lt3A_49 : vector<128x1xi1>
    %get3A_50 = arith.constant 0 : index
    %get3A_51 = arith.constant 0 : index
    %get3A_52 = vector.load %arg11[%get3A_50, %get3A_51] : memref<1x8192xf32, #tpu.memory_space<vmem>>, vector<1x8192xf32>
    %convert_element_type3A_53 = arith.extui %and3A : vector<128x1xi1> to vector<128x1xi32>
    %convert_element_type3A_54 = arith.sitofp %convert_element_type3A_53 : vector<128x1xi32> to vector<128x1xf32>
    %mul3A_55 = vector.broadcast %convert_element_type3A_54 : vector<128x1xf32> to vector<128x8192xf32>
    %mul3A_56 = arith.mulf %convert_element_type3A_40, %mul3A_55 : vector<128x8192xf32>
    %reduce_sum3A_57 = arith.constant dense<0.000000e+00> : vector<8192xf32>
    %reduce_sum3A_58 = vector.multi_reduction <add>, %mul3A_56, %reduce_sum3A_57 [0] : vector<128x8192xf32> to vector<8192xf32>
    %broadcast_in_dim3A_59 = vector.shape_cast %reduce_sum3A_58 : vector<8192xf32> to vector<1x8192xf32>
    %add3A_60 = arith.addf %get3A_52, %broadcast_in_dim3A_59 : vector<1x8192xf32>
    %swap3A = arith.constant 0 : index
    %swap3A_61 = arith.constant 0 : index
    %swap3A_62 = vector.load %arg11[%swap3A, %swap3A_61] : memref<1x8192xf32, #tpu.memory_space<vmem>>, vector<1x8192xf32>
    tpu.vector_store %arg11[%swap3A, %swap3A_61], %add3A_60 {strides = array<i32>} : memref<1x8192xf32, #tpu.memory_space<vmem>>, vector<1x8192xf32>,
    %get3A_63 = arith.constant 0 : index
    %get3A_64 = arith.constant 0 : index
    %get3A_65 = vector.load %arg13[%get3A_63, %get3A_64] : memref<1x1xf32, #tpu.memory_space<vmem>>, vector<1x1xf32>
    %add3A_66 = arith.addf %broadcast_in_dim3A_18, %broadcast_in_dim3A_25 : vector<128x1xf32>
    %add3A_67 = arith.addf %add3A_66, %broadcast_in_dim3A_35 : vector<128x1xf32>
    %jit3A_68 = arith.constant 0.000000e+00 : f32
    %broadcast_in_dim3A_69 = vector.broadcast %jit3A_68 : f32 to vector<128x1xf32>
    %select_n3A_70 = arith.select %and3A, %add3A_67, %broadcast_in_dim3A_69 : vector<128x1xi1>, vector<128x1xf32>
    %reduce_sum3A_71 = vector.shape_cast %select_n3A_70 : vector<128x1xf32> to vector<1x128x1xf32>
    %reduce_sum3A_72 = arith.constant dense<0.000000e+00> : vector<1xf32>
    %reduce_sum3A_73 = vector.multi_reduction <add>, %reduce_sum3A_71, %reduce_sum3A_72 [1, 2] : vector<1x128x1xf32> to vector<1xf32>
    %reduce_sum3A_74 = vector.shape_cast %reduce_sum3A_73 : vector<1xf32> to vector<1x1x1xf32>
    %reduce_sum3A_75 = vector.extract %reduce_sum3A_74[0, 0, 0] : f32 from vector<1x1x1xf32>
    %add3A_76 = vector.broadcast %reduce_sum3A_75 : f32 to vector<1x1xf32>
    %add3A_77 = arith.addf %get3A_65, %add3A_76 : vector<1x1xf32>
    %swap3A_78 = arith.constant 0 : index
    %swap3A_79 = arith.constant 0 : index
    %swap3A_80 = vector.load %arg13[%swap3A_78, %swap3A_79] : memref<1x1xf32, #tpu.memory_space<vmem>>, vector<1x1xf32>
    tpu.vector_store %arg13[%swap3A_78, %swap3A_79], %add3A_77 {strides = array<i32>} : memref<1x1xf32, #tpu.memory_space<vmem>>, vector<1x1xf32>,
    %broadcast_in_dim3A_81 = arith.constant 3.40282347E+38 : f32
    %broadcast_in_dim3A_82 = vector.broadcast %broadcast_in_dim3A_81 : f32 to vector<128x1024xf32>
    %swap3A_83 = arith.constant 0 : index
    %swap3A_84 = arith.constant 0 : index
    %swap3A_85 = vector.load %arg4[%swap3A_83, %swap3A_84] : memref<128x9216xf32, #tpu.memory_space<vmem>>, vector<128x1024xf32>
    tpu.vector_store %arg4[%swap3A_83, %swap3A_84], %broadcast_in_dim3A_82 {strides = array<i32>} : memref<128x9216xf32, #tpu.memory_space<vmem>>, vector<128x1024xf32>,
    %swap3A_86 = arith.constant 0 : index
    %swap3A_87 = arith.constant 1024 : index
    %swap3A_88 = vector.load %arg4[%swap3A_86, %swap3A_87] : memref<128x9216xf32, #tpu.memory_space<vmem>>, vector<128x8192xf32>
    tpu.vector_store %arg4[%swap3A_86, %swap3A_87], %sub3A {strides = array<i32>} : memref<128x9216xf32, #tpu.memory_space<vmem>>, vector<128x8192xf32>,
    %iota3A_89 = tpu.iota {dimensions = array<i32: 1>} : vector<128x3xi32>
    %eq3A_90 = arith.constant 0 : i32
    %eq3A_91 = vector.broadcast %eq3A_90 : i32 to vector<128x3xi32>
    %eq3A_92 = arith.cmpi eq, %iota3A_89, %eq3A_91 : vector<128x3xi32>
    %eq3A_93 = arith.constant 1 : i32
    %eq3A_94 = vector.broadcast %eq3A_93 : i32 to vector<128x3xi32>
    %eq3A_95 = arith.cmpi eq, %iota3A_89, %eq3A_94 : vector<128x3xi32>
    %broadcast_in_dim3A_96 = vector.shape_cast %broadcast_in_dim3A_27 : vector<128x1xi32> to vector<128x1xi32>
    %broadcast_in_dim3A_97 = vector.broadcast %broadcast_in_dim3A_96 : vector<128x1xi32> to vector<128x3xi32>
    %broadcast_in_dim3A_98 = vector.shape_cast %broadcast_in_dim3A_37 : vector<128x1xi32> to vector<128x1xi32>
    %broadcast_in_dim3A_99 = vector.broadcast %broadcast_in_dim3A_98 : vector<128x1xi32> to vector<128x3xi32>
    %select_n3A_100 = arith.select %eq3A_95, %broadcast_in_dim3A_97, %broadcast_in_dim3A_99 : vector<128x3xi1>, vector<128x3xi32>
    %broadcast_in_dim3A_101 = vector.shape_cast %broadcast_in_dim3A_19 : vector<128x1xi32> to vector<128x1xi32>
    %broadcast_in_dim3A_102 = vector.broadcast %broadcast_in_dim3A_101 : vector<128x1xi32> to vector<128x3xi32>
    %select_n3A_103 = arith.select %eq3A_92, %broadcast_in_dim3A_102, %select_n3A_100 : vector<128x3xi1>, vector<128x3xi32>
    %add3A_104 = arith.constant 1024 : i32
    %add3A_105 = vector.broadcast %add3A_104 : i32 to vector<128x3xi32>
    %add3A_106 = arith.addi %select_n3A_103, %add3A_105 : vector<128x3xi32>
    %swap3A_107 = arith.constant 0 : index
    %swap3A_108 = arith.constant 0 : index
    %swap3A_109 = vector.load %arg5[%swap3A_107, %swap3A_108] : memref<128x3xi32, #tpu.memory_space<vmem>>, vector<128x3xi32>
    tpu.vector_store %arg5[%swap3A_107, %swap3A_108], %add3A_106 {strides = array<i32>} : memref<128x3xi32, #tpu.memory_space<vmem>>, vector<128x3xi32>,
    %eq3A_110 = arith.constant 0 : i32
    %eq3A_111 = arith.cmpi eq, %arg0, %eq3A_110 : i32
    %convert_element_type3A_112 = arith.extui %eq3A_111 : i1 to i32
    %cond3A_113 = arith.constant 0 : i32
    %cond3A_114 = arith.cmpi ne, %convert_element_type3A_112, %cond3A_113 : i32
    scf.if %cond3A_114 {
      %get3A_120 = arith.constant 0 : index
      %get3A_121 = arith.constant 0 : index
      %get3A_122 = vector.load %arg1[%get3A_120, %get3A_121] : memref<128x64xf32, #tpu.memory_space<vmem>>, vector<16x64xf32>
      %get3A_123 = arith.constant 0 : index
      %get3A_124 = arith.constant 0 : index
      %get3A_125 = vector.load %arg2[%get3A_123, %get3A_124] : memref<1024x64xf32, #tpu.memory_space<vmem>>, vector<1024x64xf32>
      %dot_general3A_126 = arith.constant dense<0.000000e+00> : vector<16x1024xf32>
      %dot_general3A_127 = tpu.matmul %get3A_122, %get3A_125, %dot_general3A_126 {dimension_numbers = #tpu.dot_dimension_numbers<[1], [1], [0], [0], [0, 0, 1, 0], [], []>, transpose_lhs_hint = false} : vector<16x64xf32>, vector<1024x64xf32>, vector<16x1024xf32> -> vector<16x1024xf32>
      %mul3A_128 = arith.mulf %get3A_122, %get3A_122 : vector<16x64xf32>
      %reduce_sum3A_129 = arith.constant dense<0.000000e+00> : vector<16xf32>
      %reduce_sum3A_130 = vector.multi_reduction <add>, %mul3A_128, %reduce_sum3A_129 [1] : vector<16x64xf32> to vector<16xf32>
      %broadcast_in_dim3A_131 = vector.shape_cast %reduce_sum3A_130 : vector<16xf32> to vector<16x1xf32>
      %get3A_132 = arith.constant 0 : index
      %get3A_133 = arith.constant 0 : index
      %get3A_134 = vector.load %arg2[%get3A_132, %get3A_133] : memref<1024x64xf32, #tpu.memory_space<vmem>>, vector<1024x64xf32>
      %mul3A_135 = arith.mulf %get3A_134, %get3A_134 : vector<1024x64xf32>
      %reduce_sum3A_136 = arith.constant dense<0.000000e+00> : vector<1024xf32>
      %reduce_sum3A_137 = vector.multi_reduction <add>, %mul3A_135, %reduce_sum3A_136 [1] : vector<1024x64xf32> to vector<1024xf32>
      %broadcast_in_dim3A_138 = vector.shape_cast %reduce_sum3A_137 : vector<1024xf32> to vector<1x1024xf32>
      %add3A_139 = vector.broadcast %broadcast_in_dim3A_131 : vector<16x1xf32> to vector<16x1024xf32>
      %add3A_140 = vector.broadcast %broadcast_in_dim3A_138 : vector<1x1024xf32> to vector<16x1024xf32>
      %add3A_141 = arith.addf %add3A_139, %add3A_140 : vector<16x1024xf32>
      %mul3A_142 = arith.constant 2.000000e+00 : f32
      %mul3A_143 = vector.broadcast %mul3A_142 : f32 to vector<16x1024xf32>
      %mul3A_144 = arith.mulf %mul3A_143, %dot_general3A_127 : vector<16x1024xf32>
      %sub3A_145 = arith.subf %add3A_141, %mul3A_144 : vector<16x1024xf32>
      %iota3A_146 = tpu.iota {dimensions = array<i32: 1>} : vector<16x1024xi32>
      %reduce_min3A_147 = arith.constant dense<0x7F800000> : vector<16xf32>
      %reduce_min3A_148 = vector.multi_reduction <minimumf>, %sub3A_145, %reduce_min3A_147 [1] : vector<16x1024xf32> to vector<16xf32>
      %broadcast_in_dim3A_149 = vector.shape_cast %reduce_min3A_148 : vector<16xf32> to vector<16x1xf32>
      %argmin3A_150 = tpu.reduce_index %sub3A_145 {axis = 1 : i32, kind = #tpu.reduction_kind<arg_min>} : vector<16x1024xf32> -> vector<16xi32>
      %broadcast_in_dim3A_151 = vector.shape_cast %argmin3A_150 : vector<16xi32> to vector<16x1xi32>
      %eq3A_152 = vector.broadcast %broadcast_in_dim3A_151 : vector<16x1xi32> to vector<16x1024xi32>
      %eq3A_153 = arith.cmpi eq, %iota3A_146, %eq3A_152 : vector<16x1024xi32>
      %jit3A_154 = arith.constant 3.40282347E+38 : f32
      %broadcast_in_dim3A_155 = vector.broadcast %jit3A_154 : f32 to vector<16x1024xf32>
      %select_n3A_156 = arith.select %eq3A_153, %broadcast_in_dim3A_155, %sub3A_145 : vector<16x1024xi1>, vector<16x1024xf32>
      %reduce_min3A_157 = arith.constant dense<0x7F800000> : vector<16xf32>
      %reduce_min3A_158 = vector.multi_reduction <minimumf>, %select_n3A_156, %reduce_min3A_157 [1] : vector<16x1024xf32> to vector<16xf32>
      %broadcast_in_dim3A_159 = vector.shape_cast %reduce_min3A_158 : vector<16xf32> to vector<16x1xf32>
      %argmin3A_160 = tpu.reduce_index %select_n3A_156 {axis = 1 : i32, kind = #tpu.reduction_kind<arg_min>} : vector<16x1024xf32> -> vector<16xi32>
      %broadcast_in_dim3A_161 = vector.shape_cast %argmin3A_160 : vector<16xi32> to vector<16x1xi32>
      %eq3A_162 = vector.broadcast %broadcast_in_dim3A_161 : vector<16x1xi32> to vector<16x1024xi32>
      %eq3A_163 = arith.cmpi eq, %iota3A_146, %eq3A_162 : vector<16x1024xi32>
      %jit3A_164 = arith.constant 3.40282347E+38 : f32
      %broadcast_in_dim3A_165 = vector.broadcast %jit3A_164 : f32 to vector<16x1024xf32>
      %select_n3A_166 = arith.select %eq3A_163, %broadcast_in_dim3A_165, %select_n3A_156 : vector<16x1024xi1>, vector<16x1024xf32>
      %reduce_min3A_167 = arith.constant dense<0x7F800000> : vector<16xf32>
      %reduce_min3A_168 = vector.multi_reduction <minimumf>, %select_n3A_166, %reduce_min3A_167 [1] : vector<16x1024xf32> to vector<16xf32>
      %broadcast_in_dim3A_169 = vector.shape_cast %reduce_min3A_168 : vector<16xf32> to vector<16x1xf32>
      %argmin3A_170 = tpu.reduce_index %select_n3A_166 {axis = 1 : i32, kind = #tpu.reduction_kind<arg_min>} : vector<16x1024xf32> -> vector<16xi32>
      %broadcast_in_dim3A_171 = vector.shape_cast %argmin3A_170 : vector<16xi32> to vector<16x1xi32>
      %le3A_172 = vector.broadcast %broadcast_in_dim3A_169 : vector<16x1xf32> to vector<16x1024xf32>
      %le3A_173 = arith.cmpf ole, %sub3A_145, %le3A_172 : vector<16x1024xf32>
      %convert_element_type3A_174 = arith.extui %le3A_173 : vector<16x1024xi1> to vector<16x1024xi32>
      %convert_element_type3A_175 = arith.sitofp %convert_element_type3A_174 : vector<16x1024xi32> to vector<16x1024xf32>
      %swap3A_176 = arith.constant 0 : index
      %swap3A_177 = arith.constant 0 : index
      %swap3A_178 = vector.load %arg4[%swap3A_176, %swap3A_177] : memref<128x9216xf32, #tpu.memory_space<vmem>>, vector<16x1024xf32>
      tpu.vector_store %arg4[%swap3A_176, %swap3A_177], %sub3A_145 {strides = array<i32>} : memref<128x9216xf32, #tpu.memory_space<vmem>>, vector<16x1024xf32>,
      %broadcast_in_dim3A_179 = arith.constant 3.40282347E+38 : f32
      %broadcast_in_dim3A_180 = vector.broadcast %broadcast_in_dim3A_179 : f32 to vector<16x8192xf32>
      %swap3A_181 = arith.constant 0 : index
      %swap3A_182 = arith.constant 1024 : index
      %swap3A_183 = vector.load %arg4[%swap3A_181, %swap3A_182] : memref<128x9216xf32, #tpu.memory_space<vmem>>, vector<16x8192xf32>
      tpu.vector_store %arg4[%swap3A_181, %swap3A_182], %broadcast_in_dim3A_180 {strides = array<i32>} : memref<128x9216xf32, #tpu.memory_space<vmem>>, vector<16x8192xf32>,
      %iota3A_184 = tpu.iota {dimensions = array<i32: 1>} : vector<16x3xi32>
      %eq3A_185 = arith.constant 0 : i32
      %eq3A_186 = vector.broadcast %eq3A_185 : i32 to vector<16x3xi32>
      %eq3A_187 = arith.cmpi eq, %iota3A_184, %eq3A_186 : vector<16x3xi32>
      %eq3A_188 = arith.constant 1 : i32
      %eq3A_189 = vector.broadcast %eq3A_188 : i32 to vector<16x3xi32>
      %eq3A_190 = arith.cmpi eq, %iota3A_184, %eq3A_189 : vector<16x3xi32>
      %broadcast_in_dim3A_191 = vector.shape_cast %broadcast_in_dim3A_161 : vector<16x1xi32> to vector<16x1xi32>
      %broadcast_in_dim3A_192 = vector.broadcast %broadcast_in_dim3A_191 : vector<16x1xi32> to vector<16x3xi32>
      %broadcast_in_dim3A_193 = vector.shape_cast %broadcast_in_dim3A_171 : vector<16x1xi32> to vector<16x1xi32>
      %broadcast_in_dim3A_194 = vector.broadcast %broadcast_in_dim3A_193 : vector<16x1xi32> to vector<16x3xi32>
      %select_n3A_195 = arith.select %eq3A_190, %broadcast_in_dim3A_192, %broadcast_in_dim3A_194 : vector<16x3xi1>, vector<16x3xi32>
      %broadcast_in_dim3A_196 = vector.shape_cast %broadcast_in_dim3A_151 : vector<16x1xi32> to vector<16x1xi32>
      %broadcast_in_dim3A_197 = vector.broadcast %broadcast_in_dim3A_196 : vector<16x1xi32> to vector<16x3xi32>
      %select_n3A_198 = arith.select %eq3A_187, %broadcast_in_dim3A_197, %select_n3A_195 : vector<16x3xi1>, vector<16x3xi32>
      %swap3A_199 = arith.constant 0 : index
      %swap3A_200 = arith.constant 0 : index
      %swap3A_201 = vector.load %arg5[%swap3A_199, %swap3A_200] : memref<128x3xi32, #tpu.memory_space<vmem>>, vector<16x3xi32>
      tpu.vector_store %arg5[%swap3A_199, %swap3A_200], %select_n3A_198 {strides = array<i32>} : memref<128x3xi32, #tpu.memory_space<vmem>>, vector<16x3xi32>,
      %swap3A_202 = arith.constant 0 : index
      %swap3A_203 = arith.constant 0 : index
      %swap3A_204 = vector.load %arg10[%swap3A_202, %swap3A_203] : memref<16x1024xf32, #tpu.memory_space<vmem>>, vector<16x1024xf32>
      tpu.vector_store %arg10[%swap3A_202, %swap3A_203], %convert_element_type3A_175 {strides = array<i32>} : memref<16x1024xf32, #tpu.memory_space<vmem>>, vector<16x1024xf32>,
      %add3A_205 = arith.addf %broadcast_in_dim3A_149, %broadcast_in_dim3A_159 : vector<16x1xf32>
      %add3A_206 = arith.addf %add3A_205, %broadcast_in_dim3A_169 : vector<16x1xf32>
      %reduce_sum3A_207 = vector.shape_cast %add3A_206 : vector<16x1xf32> to vector<1x16x1xf32>
      %reduce_sum3A_208 = arith.constant dense<0.000000e+00> : vector<1xf32>
      %reduce_sum3A_209 = vector.multi_reduction <add>, %reduce_sum3A_207, %reduce_sum3A_208 [1, 2] : vector<1x16x1xf32> to vector<1xf32>
      %reduce_sum3A_210 = vector.shape_cast %reduce_sum3A_209 : vector<1xf32> to vector<1x1x1xf32>
      %reduce_sum3A_211 = vector.extract %reduce_sum3A_210[0, 0, 0] : f32 from vector<1x1x1xf32>
      %broadcast_in_dim3A_212 = vector.broadcast %reduce_sum3A_211 : f32 to vector<1x1xf32>
      %swap3A_213 = arith.constant 0 : index
      %swap3A_214 = arith.constant 0 : index
      %swap3A_215 = vector.load %arg12[%swap3A_213, %swap3A_214] : memref<1x1xf32, #tpu.memory_space<vmem>>, vector<1x1xf32>
      tpu.vector_store %arg12[%swap3A_213, %swap3A_214], %broadcast_in_dim3A_212 {strides = array<i32>} : memref<1x1xf32, #tpu.memory_space<vmem>>, vector<1x1xf32>,
    } else {
    }
    %eq3A_115 = arith.constant 32 : i32
    %eq3A_116 = arith.cmpi eq, %arg0, %eq3A_115 : i32
    %convert_element_type3A_117 = arith.extui %eq3A_116 : i1 to i32
    %cond3A_118 = arith.constant 0 : i32
    %cond3A_119 = arith.cmpi ne, %convert_element_type3A_117, %cond3A_118 : i32
    scf.if %cond3A_119 {
      %get3A_120 = arith.constant 0 : index
      %get3A_121 = arith.constant 0 : index
      %get3A_122 = vector.load %arg12[%get3A_120, %get3A_121] : memref<1x1xf32, #tpu.memory_space<vmem>>, vector<1x1xf32>
      %div3A = arith.constant 3.072000e+03 : f32
      %div3A_123 = vector.broadcast %div3A : f32 to vector<1x1xf32>
      %div3A_124 = arith.divf %get3A_122, %div3A_123 : vector<1x1xf32>
      %get3A_125 = arith.constant 0 : index
      %get3A_126 = arith.constant 0 : index
      %get3A_127 = vector.load %arg13[%get3A_125, %get3A_126] : memref<1x1xf32, #tpu.memory_space<vmem>>, vector<1x1xf32>
      %div3A_128 = arith.constant 7.864320e+05 : f32
      %div3A_129 = vector.broadcast %div3A_128 : f32 to vector<1x1xf32>
      %div3A_130 = arith.divf %get3A_127, %div3A_129 : vector<1x1xf32>
      %add3A_131 = arith.addf %div3A_124, %div3A_130 : vector<1x1xf32>
      %mul3A_132 = arith.constant 2.500000e-01 : f32
      %mul3A_133 = vector.broadcast %mul3A_132 : f32 to vector<1x1xf32>
      %mul3A_134 = arith.mulf %mul3A_133, %add3A_131 : vector<1x1xf32>
      %swap3A_135 = arith.constant 0 : index
      %swap3A_136 = arith.constant 0 : index
      %swap3A_137 = vector.load %arg6[%swap3A_135, %swap3A_136] : memref<1x1xf32, #tpu.memory_space<vmem>>, vector<1x1xf32>
      tpu.vector_store %arg6[%swap3A_135, %swap3A_136], %mul3A_134 {strides = array<i32>} : memref<1x1xf32, #tpu.memory_space<vmem>>, vector<1x1xf32>,
      %get3A_138 = arith.constant 0 : index
      %get3A_139 = arith.constant 0 : index
      %get3A_140 = vector.load %arg10[%get3A_138, %get3A_139] : memref<16x1024xf32, #tpu.memory_space<vmem>>, vector<16x1024xf32>
      %reduce_sum3A_141 = arith.constant dense<0.000000e+00> : vector<1024xf32>
      %reduce_sum3A_142 = vector.multi_reduction <add>, %get3A_140, %reduce_sum3A_141 [0] : vector<16x1024xf32> to vector<1024xf32>
      %broadcast_in_dim3A_143 = vector.shape_cast %reduce_sum3A_142 : vector<1024xf32> to vector<1x1024xf32>
      %div3A_144 = arith.constant 1.600000e+01 : f32
      %div3A_145 = vector.broadcast %div3A_144 : f32 to vector<1x1024xf32>
      %div3A_146 = arith.divf %broadcast_in_dim3A_143, %div3A_145 : vector<1x1024xf32>
      %add3A_147 = arith.constant 1.000000e-10 : f32
      %add3A_148 = vector.broadcast %add3A_147 : f32 to vector<1x1024xf32>
      %add3A_149 = arith.addf %div3A_146, %add3A_148 : vector<1x1024xf32>
      %log3A = math.log %add3A_149 : vector<1x1024xf32>
      %mul3A_150 = arith.mulf %div3A_146, %log3A : vector<1x1024xf32>
      %reduce_sum3A_151 = vector.shape_cast %mul3A_150 : vector<1x1024xf32> to vector<1x1x1024xf32>
      %reduce_sum3A_152 = arith.constant dense<0.000000e+00> : vector<1xf32>
      %reduce_sum3A_153 = vector.multi_reduction <add>, %reduce_sum3A_151, %reduce_sum3A_152 [1, 2] : vector<1x1x1024xf32> to vector<1xf32>
      %reduce_sum3A_154 = vector.shape_cast %reduce_sum3A_153 : vector<1xf32> to vector<1x1x1xf32>
      %reduce_sum3A_155 = vector.extract %reduce_sum3A_154[0, 0, 0] : f32 from vector<1x1x1xf32>
      %neg3A = arith.constant 0.000000e+00 : f32
      %neg3A_156 = arith.subf %neg3A, %reduce_sum3A_155 : f32
      %broadcast_in_dim3A_157 = vector.broadcast %neg3A_156 : f32 to vector<1x1xf32>
      %exp3A = math.exp %broadcast_in_dim3A_157 : vector<1x1xf32>
      %swap3A_158 = arith.constant 0 : index
      %swap3A_159 = arith.constant 0 : index
      %swap3A_160 = vector.load %arg7[%swap3A_158, %swap3A_159] : memref<1x1xf32, #tpu.memory_space<vmem>>, vector<1x1xf32>
      tpu.vector_store %arg7[%swap3A_158, %swap3A_159], %exp3A {strides = array<i32>} : memref<1x1xf32, #tpu.memory_space<vmem>>, vector<1x1xf32>,
      %get3A_161 = arith.constant 0 : index
      %get3A_162 = arith.constant 0 : index
      %get3A_163 = vector.load %arg11[%get3A_161, %get3A_162] : memref<1x8192xf32, #tpu.memory_space<vmem>>, vector<1x8192xf32>
      %div3A_164 = arith.constant 4.096000e+03 : f32
      %div3A_165 = vector.broadcast %div3A_164 : f32 to vector<1x8192xf32>
      %div3A_166 = arith.divf %get3A_163, %div3A_165 : vector<1x8192xf32>
      %add3A_167 = arith.constant 1.000000e-10 : f32
      %add3A_168 = vector.broadcast %add3A_167 : f32 to vector<1x8192xf32>
      %add3A_169 = arith.addf %div3A_166, %add3A_168 : vector<1x8192xf32>
      %log3A_170 = math.log %add3A_169 : vector<1x8192xf32>
      %mul3A_171 = arith.mulf %div3A_166, %log3A_170 : vector<1x8192xf32>
      %reduce_sum3A_172 = vector.shape_cast %mul3A_171 : vector<1x8192xf32> to vector<1x1x8192xf32>
      %reduce_sum3A_173 = arith.constant dense<0.000000e+00> : vector<1xf32>
      %reduce_sum3A_174 = vector.multi_reduction <add>, %reduce_sum3A_172, %reduce_sum3A_173 [1, 2] : vector<1x1x8192xf32> to vector<1xf32>
      %reduce_sum3A_175 = vector.shape_cast %reduce_sum3A_174 : vector<1xf32> to vector<1x1x1xf32>
      %reduce_sum3A_176 = vector.extract %reduce_sum3A_175[0, 0, 0] : f32 from vector<1x1x1xf32>
      %neg3A_177 = arith.constant 0.000000e+00 : f32
      %neg3A_178 = arith.subf %neg3A_177, %reduce_sum3A_176 : f32
      %broadcast_in_dim3A_179 = vector.broadcast %neg3A_178 : f32 to vector<1x1xf32>
      %exp3A_180 = math.exp %broadcast_in_dim3A_179 : vector<1x1xf32>
      %swap3A_181 = arith.constant 0 : index
      %swap3A_182 = arith.constant 0 : index
      %swap3A_183 = vector.load %arg8[%swap3A_181, %swap3A_182] : memref<1x1xf32, #tpu.memory_space<vmem>>, vector<1x1xf32>
      tpu.vector_store %arg8[%swap3A_181, %swap3A_182], %exp3A_180 {strides = array<i32>} : memref<1x1xf32, #tpu.memory_space<vmem>>, vector<1x1xf32>,
    } else {
    }
    return
  }
  func.func @transform_0(%arg0: i32) -> (i32, i32) {
    %c0_i32 = arith.constant 0 : i32
    %c0_i32_0 = arith.constant 0 : i32
    return %arg0, %c0_i32 : i32, i32
  }
  func.func @transform_1(%arg0: i32) -> (i32, i32) {
    %c0_i32 = arith.constant 0 : i32
    %c0_i32_0 = arith.constant 0 : i32
    %c0_i32_1 = arith.constant 0 : i32
    return %c0_i32, %c0_i32_0 : i32, i32
  }
  func.func @transform_2(%arg0: i32) -> (i32, i32) {
    %c0_i32 = arith.constant 0 : i32
    %c0_i32_0 = arith.constant 0 : i32
    %c0_i32_1 = arith.constant 0 : i32
    return %c0_i32, %c0_i32_0 : i32, i32
  }
  func.func @transform_3(%arg0: i32) -> (i32, i32) {
    %c0_i32 = arith.constant 0 : i32
    %c0_i32_0 = arith.constant 0 : i32
    return %arg0, %c0_i32 : i32, i32
  }
  func.func @transform_4(%arg0: i32) -> (i32, i32) {
    %c0_i32 = arith.constant 0 : i32
    %c0_i32_0 = arith.constant 0 : i32
    return %arg0, %c0_i32 : i32, i32
  }
  func.func @transform_5(%arg0: i32) -> (i32, i32) {
    %c0_i32 = arith.constant 0 : i32
    %c0_i32_0 = arith.constant 0 : i32
    %c0_i32_1 = arith.constant 0 : i32
    return %c0_i32, %c0_i32_0 : i32, i32
  }
  func.func @transform_6(%arg0: i32) -> (i32, i32) {
    %c0_i32 = arith.constant 0 : i32
    %c0_i32_0 = arith.constant 0 : i32
    %c0_i32_1 = arith.constant 0 : i32
    return %c0_i32, %c0_i32_0 : i32, i32
  }
  func.func @transform_7(%arg0: i32) -> (i32, i32) {
    %c0_i32 = arith.constant 0 : i32
    %c0_i32_0 = arith.constant 0 : i32
    %c0_i32_1 = arith.constant 0 : i32
    return %c0_i32, %c0_i32_0 : i32, i32
  }
}

</mosaic_0001>

<sc_bundles>
// kernel: kernel.4.cloned.1.call-start
scs
__scs_entry_jumppad:
0x0: {  	(pc) =	sbr.rel $0x88, $3  }
0x1: {  	(tag) =	ssettag $0x0;
	lr =	simm.s32 $0x1  }
0x2: {  	[smem:$0x3F9E] =	sst lr;
	_ =	strace $0xD0000000  }
0x3: {  	_ = 	snop  }
0x4: {  	_ = 	snop  }
0x5: {  	_ = 	snop  }
0x6: {  	_ = 	snop  }
0x7: {  	_ = 	snop  }
__scs_overlays_trampoline_lowered:
0x8: {  	[smem:$0x3FAD] =	sst s0  }
0x9: {  	[smem:$0x3FAE] =	sst s1  }
0xa: {  	[smem:$0x3FAF] =	sst s2  }
0xb: {  	[smem:$0x3FB0] =	sst s3  }
0xc: {  	[smem:$0x3FB1] =	sst s4  }
0xd: {  	[smem:$0x3FB2] =	sst s5  }
0xe: {  	[smem:$0x3FB3] =	sst s6  }
0xf: {  	[smem:$0x3FB4] =	sst s7  }
0x10: {  	[smem:$0x3FB5] =	sst s8  }
0x11: {  	[smem:$0x3FB6] =	sst s9;
	s0 =	simm.s32 @!p0 $0x0  }
0x12: {  	s1 =	sld [smem:$0x3F9C];
	s0 =	simm.s32 @p0 $0x1  }
0x13: {  	[smem:$0x3FB7] =	sst s0;
	s0 =	simm.s32 @!p1 $0x0  }
0x14: {  	s2 =	sld [smem:$0x3F9B];
	s0 =	simm.s32 @p1 $0x1  }
0x15: {  	[smem:$0x3FB8] =	sst s0;
	s0 =	simm.s32 @!p2 $0x0  }
0x16: {  	s3 =	sld [smem:$0x3FDB];
	s0 =	simm.s32 @p2 $0x1  }
0x17: {  	s4 =	simm.s32 $0x1BF5;
	[smem:$0x3FBA] =	sst s0  }
0x18: {  	s0 =	sld [smem:$0x3F9D];
	_ =	swait.ge [sflag:s4], $0x0  }
0x19: {  	s7 =	sld [smem:$0x3F9E]  }
0x1a: {  	s8 =	sadd.s32 $0xFFFFE003, lr  }
0x1b: {  	s9 =	sadd.s32 $0xFFFFFEF7, lr;
	s5 =	simm.s32 $0xFFFFFFFF;
	p2 =	slt.u32 s8, $0xFFFFF086  }
0x1c: {  	p1 =	slt.u32 s9, $0xF7A;
	s5 =	simm.s32 @!p2 $0x0  }
0x1d: {  	s5 =	simm.s32 @p1 $0x1;
	p0 =	seq.s32 s7, s2  }
0x1e: {  	s7 =	smul.u32 @!p0 $0xF7A, s2;
	p2 =	seq.s32 @!p0 s5, $0x0  }
0x1f: {  	s9 =	smul.u32 $0xF7A, s1;
	s8 =	simm.s32 @!p0 $0x1BF5;
	p2 =	por !p2, p0  }
0x20: {  	[sflag:s8] =	ssyncset.s32 @!p0 $0xFFFFF086;
	s6 =	sadd.s32 @!p0 s3, s7;
	s7 =	simm.s32 @!p0 $0x108  }
0x21: {  	s3 =	sadd.s32 s3, s9;
	s6 =	sadd.s32 @!p0 $0x88, s6;
	s7 =	simm.s32 @p2 $0x1082  }
0x22: {  	[simem:s7], [sflag:s8] =	dma.local @!p0 [hbm:s6], $0xF7A  }
0x23: {  	s9 =	sor.u32 $0xD0000000, s2;
	s6 =	simm.s32 $0x108;
	_ =	swait.ge @!p0 [sflag:s8], $0x0  }
0x24: {  	s3 =	sadd.s32 $0x88, s3;
	s6 =	simm.s32 @!p1 $0x1082;
	[sflag:s4] =	ssyncset.s32 $0xFFFFF086  }
0x25: {  	[simem:s6], [sflag:s4] =	dma.local [hbm:s3], $0xF7A  }
0x26: {  	[smem:$0x3F9E] =	sst s1;
	(tag) =	ssettag s2;
	_ =	strace s9  }
0x27: {  	s1 =	sld [smem:$0x3FAE]  }
0x28: {  	s2 =	sld [smem:$0x3FAF]  }
0x29: {  	s4 =	sld [smem:$0x3FB1]  }
0x2a: {  	p0 =	seq.s32 s5, $0x0;
	s5 =	sld [smem:$0x3FB2]  }
0x2b: {  	s6 =	sld [smem:$0x3FB3]  }
0x2c: {  	s7 =	sld [smem:$0x3FB4]  }
0x2d: {  	s3 =	simm.s32 $0x108;
	s8 =	sld [smem:$0x3FB5]  }
0x2e: {  	s3 =	simm.s32 @!p0 $0x1082;
	s9 =	sld [smem:$0x3FB6]  }
0x2f: {  	lr =	sadd.s32 s0, s3;
	s0 =	sld [smem:$0x3FAD]  }
0x30: {  	s3 =	sld [smem:$0x3FB0]  }
0x31: {  	[smem:$0x3FB9] =	sst s10  }
0x32: {  	s10 =	sld [smem:$0x3FB7];
	_ =	sdelay $0x3  }
0x33: {  	p0 =	seq.s32 s10, $0x1;
	s10 =	sld [smem:$0x3FB9];
	_ =	sdelay $0x3  }
0x34: {  	[smem:$0x3FB9] =	sst s10  }
0x35: {  	s10 =	sld [smem:$0x3FB8];
	_ =	sdelay $0x3  }
0x36: {  	p1 =	seq.s32 s10, $0x1;
	s10 =	sld [smem:$0x3FB9];
	_ =	sdelay $0x3  }
0x37: {  	[smem:$0x3FB9] =	sst s10  }
0x38: {  	s10 =	sld [smem:$0x3FBA]  }
0x39: {  	_ = 	snop;
	(pc) =	sbr.ind lr, $3  }
0x3a: {  	_ = 	snop  }
0x3b: {  	_ = 	snop  }
0x3c: {  	p2 =	seq.s32 s10, $0x1;
	s10 =	sld [smem:$0x3FB9]  }
0x3d: {  	_ =	shalt  }
0x3e: {  	_ =	shalt  }
0x3f: {  	_ =	shalt  }
0x40: {  	_ =	shalt  }
0x41: {  	_ =	shalt  }
0x42: {  	_ =	shalt  }
0x43: {  	_ =	shalt  }
0x44: {  	_ =	shalt  }
0x45: {  	_ =	shalt  }
0x46: {  	_ =	shalt  }
0x47: {  	_ =	shalt  }
0x48: {  	_ =	shalt  }
0x49: {  	_ =	shalt  }
0x4a: {  	_ =	shalt  }
0x4b: {  	_ =	shalt  }
0x4c: {  	_ =	shalt  }
0x4d: {  	_ =	shalt  }
0x4e: {  	_ =	shalt  }
0x4f: {  	_ =	shalt  }
0x50: {  	_ =	shalt  }
0x51: {  	_ =	shalt  }
0x52: {  	_ =	shalt  }
0x53: {  	_ =	shalt  }
0x54: {  	_ =	shalt  }
0x55: {  	_ =	shalt  }
0x56: {  	_ =	shalt  }
0x57: {  	_ =	shalt  }
0x58: {  	_ =	shalt  }
0x59: {  	_ =	shalt  }
0x5a: {  	_ =	shalt  }
0x5b: {  	_ =	shalt  }
0x5c: {  	_ =	shalt  }
0x5d: {  	_ =	shalt  }
0x5e: {  	_ =	shalt  }
0x5f: {  	_ =	shalt  }
0x60: {  	_ =	shalt  }
0x61: {  	_ =	shalt  }
0x62: {  	_ =	shalt  }
0x63: {  	_ =	shalt  }
0x64: {  	_ =	shalt  }
0x65: {  	_ =	shalt  }
0x66: {  	_ =	shalt  }
0x67: {  	_ =	shalt  }
0x68: {  	_ =	shalt  }
0x69: {  	_ =	shalt  }
0x6a: {  	_ =	shalt  }
0x6b: {  	_ =	shalt  }
0x6c: {  	_ =	shalt  }
0x6d: {  	_ =	shalt  }
0x6e: {  	_ =	shalt  }
0x6f: {  	_ =	shalt  }
0x70: {  	_ =	shalt  }
0x71: {  	_ =	shalt  }
0x72: {  	_ =	shalt  }
0x73: {  	_ =	shalt  }
0x74: {  	_ =	shalt  }
0x75: {  	_ =	shalt  }
0x76: {  	_ =	shalt  }
0x77: {  	_ =	shalt  }
0x78: {  	_ =	shalt  }
0x79: {  	_ =	shalt  }
0x7a: {  	_ =	shalt  }
0x7b: {  	_ =	shalt  }
0x7c: {  	_ =	shalt  }
0x7d: {  	_ =	shalt  }
0x7e: {  	_ =	shalt  }
0x7f: {  	_ =	shalt  }
0x80: {  	_ =	shalt  }
0x81: {  	_ =	shalt  }
0x82: {  	_ =	shalt  }
0x83: {  	_ =	shalt  }
0x84: {  	_ =	shalt  }
0x85: {  	_ =	shalt  }
0x86: {  	_ =	shalt  }
0x87: {  	_ =	shalt  }
.Lfunc_end0:
.L_simem_size_0:
called_computation_lowered:
.L_overlay_start_0:
0x88: {  	s2 =	sld [smem:$0x3FD9]  }
0x89: {  	s3 =	sld [smem:$0x3FFE];
	_ =	sdelay $0x1  }
0x8a: {  	s1 =	srdreg.scid  }
0x8b: {  	s0 =	sand.u32 $0x1, s1  }
0x8c: {  	s14 =	sshll.u32 s0, $0xA;
	s2 =	sadd.s32 s3, s2  }
0x8d: {  	s2 =	sadd.s32 s2, s14  }
0x8e: {  	[smem:$0x3FC5] =	sst s2  }
0x8f: {  	_ = 	snop  }
0x90: {  	s2 =	sld [smem:$0x3FD0];
	_ =	sdelay $0x2  }
0x91: {  	s15 =	simm.s32 $0xA;
	s4 =	simm.s32 $0x10  }
0x92: {  	[smem:s4], [sflag:s15] =	dma.local [hbm:s2], $0x1  }
0x93: {  	_ =	swait.eq [sflag:s15], $0x1  }
0x94: {  	[sflag:s15] =	ssyncset.done $0x0  }
0x95: {  	[sflag:s15] =	ssyncadd.s32 $0xFFFFFFFF  }
0x96: {  	s16 =	sld [smem:$0x11];
	(tm) =	ssettm $0x1  }
0x97: {  	s17 =	sld [smem:$0x3FFB];
	_ =	sdelay $0x3  }
0x98: {  	_ =	strace s17  }
0x99: {  	s3 =	sld [smem:$0x3FFC];
	_ =	sdelay $0x3  }
0x9a: {  	_ =	strace s3  }
0x9b: {  	s3 =	sld [smem:$0x3FFD];
	_ =	sdelay $0x3  }
0x9c: {  	_ =	strace s3  }
0x9d: {  	_ =	strace $0x8FFFFFFF  }
0x9e: {  	s18 =	sld [smem:$0x3FDB];
	_ =	sdelay $0x1  }
0x9f: {  	s19 =	simm.s32 $_scs_section_size  }
0xa0: {  	s5 =	simm.s32 $_size__tile_overlayer_lowered;
	s6 =	simm.s32 $_tile_overlayer_lowered  }
0xa1: {  	s22 =	simm.s32 $0x1BFF;
	s21 =	sshll.u32 s6, $0x1;
	s3 =	sadd.s32 s19, s18  }
0xa2: {  	s7 =	simm.s32 $0x0;
	s20 =	sshll.u32 s5, $0x1;
	s5 =	sadd.s32 s21, s3  }
0xa3: {  	[timem:s7], [sflag:s22] =	dma.local [hbm:s5], s20  }
0xa4: {  	_ =	swait.ge [sflag:s22], s20  }
0xa5: {  	s4 =	ssub.s32 $0x0, s20;
	[sflag:s22] =	ssyncset.done $0x0  }
0xa6: {  	[sflag:s22] =	ssyncadd.s32 s4;
	_ =	sdelay $0x1  }
0xa7: {  	s23 =	simm.s32 $0x1B8B  }
0xa8: {  	_ =	swait.ge [sflag:s23], $0x1  }
0xa9: {  	[sflag:s23] =	ssyncset.done $0x0  }
0xaa: {  	s25 =	simm.s32 $0x1B8E;
	s24 =	sld [smem:$0x3FFE];
	[sflag:s23] =	ssyncadd.s32 $0xFFFFFFFF  }
0xab: {  	s26 =	simm.s32 $execute0_lowered;
	[smem:$0x3FD2] =	sst s25  }
0xac: {  	s5 =	sshll.u32 s26, $0x1;
	_ =	strace $0x80000046;
	[dreg:$0x1] =	wrdreg $0xFFFFFFFF  }
0xad: {  	s28 =	simm.s32 $_size_execute0_lowered;
	s3 =	sadd.s32 s3, s5;
	[dreg:$0x0] =	wrdreg $0x0  }
0xae: {  	s5 =	sshll.u32 s28, $0x1;
	[dreg:$0x2] =	wrdreg s3  }
0xaf: {  	[dreg:$0x3] =	wrdreg s5  }
0xb0: {  	[dreg:$0x4] =	wrdreg $0xC0  }
0xb1: {  	_ =	task [dreg:s7], $0x5FFFF  }
0xb2: {  	[dreg:$0x1] =	wrdreg $0xFFFFFFFF  }
0xb3: {  	[dreg:$0x0] =	wrdreg $0x60  }
0xb4: {  	[dreg:$0x2] =	wrdreg s16  }
0xb5: {  	[dreg:$0x3] =	wrdreg s24  }
0xb6: {  	[dreg:$0x4] =	wrdreg $0x9  }
0xb7: {  	_ =	task.clear_ibuf [dreg:s7], $0x5FFFF;
	_ =	strace $0x90000046  }
0xb8: {  	s29 =	simm.s32 $0x9;
	_ =	strace $0x80000048  }
0xb9: {  	_ =	swait.ge [sflag:s29], $0x1  }
0xba: {  	[sflag:s29] =	ssyncadd.s32 $0xFFFFFFFF  }
0xbb: {  	_ =	strace $0x90000048  }
0xbc: {  	_ =	sfence  }
0xbd: {  	s30 =	sld [smem:$0x0];
	_ =	sdelay $0x2  }
0xbe: {  	s31 =	sshll.u32 s1, $0xD;
	s1 =	sshrl.u32 s1, $0x2  }
0xbf: {  	s3 =	sand.u32 $0x4000, s31;
	s1 =	sadd.s32 s1, s30  }
0xc0: {  	s0 =	sor.u32 s3, s0;
	s1 =	sshll.u32 s1, $0x11  }
0xc1: {  	s0 =	sor.u32 s1, s0  }
0xc2: {  	s0 =	sadd.s32 $0x8F2B, s0  }
0xc3: {  	[sflag:s0] =	ssyncadd.remote.s32 $0x1  }
0xc4: {  	_ =	sfence.sel $0xFFFF  }
0xc5: {  	[dreg:$0x0] =	wrdreg $0xFFFFFFFF;
	(pc) =	sbr.abs _section_cstart, $3  }
0xc6: {  	[dreg:$0x1] =	wrdreg $0xFFFFFFFF  }
0xc7: {  	_ =	task.clear_ibuf [dreg:s7], $0x2FFFF;
	_ =	strace $0x9FFFFFFF  }
0xc8: {  	(tm) =	ssettm $0x7FFFFFFF  }
0xc9: {  	_ =	shalt  }
tec
execute0_lowered:
.L_overlay_start_1:
0x0: {  	(tag) =	ssettag $0x1  }
0x1: {  	s1 =	srdreg.scid;
	s0 =	stileid.u32  }
0x2: {  	s18 =	sand.u32 $0x1, s1;
	s30 =	sshll.u32 s0, $0x1  }
0x3: {  	s2 =	rddreg [dreg:$0x0];
	s19 =	sor.u32 s18, s30  }
0x4: {  	s20 =	rddreg [dreg:$0x1];
	s4 =	smul.u32 $0x31, s19  }
0x5: {  	s3 =	simm.s32 $0x0;
	s1 =	rddreg [dreg:$0x2]  }
0x6: {  	[smem:$0x7FF] =	sst s3;
	s4 =	sadd.s32 s4, s20  }
0x7: {  	_ =	strace $0x80000047;
	s5 =	sadd.s32 $0x800, s4;
	s4 =	simm.s32 $0x2  }
0x8: {  	[tilespmem:s3], [sflag:$0x2] =	stream.linear.gather [hbm4b:s5+s3], $0x188, $0x38;
	[tilespmem:$0xC600] =	vst v63  }
0x9: {  	_ =	swait.ge [sflag:s4], $0x188  }
0xa: {  	s6 =	simm.s32 $0x38;
	[sflag:s4] =	ssyncset.done $0x0  }
0xb: {  	s7 =	simm.s32 $0x200;
	s8 =	simm.s32 $0x1;
	[sflag:s4] =	ssyncadd.s32 $0xFFFFFE78  }
0xc: {  	[tilespmem:s7], [sflag:$0x1] =	stream.indirect.gather [hbm4b:s2+s6], $0x80, s3, s6, $0xb8;
	[tilespmem:$0xC600] =	vst v63  }
0xd: {  	_ =	swait.ge [sflag:s8], $0x1C00  }
0xe: {  	[sflag:s8] =	ssyncset.done $0x0  }
0xf: {  	s9 =	simm.s32 $0x1E00;
	[sflag:s8] =	ssyncadd.s32 $0xFFFFE400  }
0x10: {  	[tilespmem:s9], [sflag:$0x1] =	stream.indirect.gather [hbm4b:s2+s6], $0x80, s6, s6, $0xb8;
	[tilespmem:$0xC600] =	vst v63  }
0x11: {  	_ =	swait.ge [sflag:s8], $0x1C00  }
0x12: {  	[sflag:s8] =	ssyncset.done $0x0  }
0x13: {  	s10 =	simm.s32 $0x70;
	s11 =	simm.s32 $0x3A00;
	[sflag:s8] =	ssyncadd.s32 $0xFFFFE400  }
0x14: {  	[tilespmem:s11], [sflag:$0x1] =	stream.indirect.gather [hbm4b:s2+s6], $0x80, s10, s6, $0xb8;
	[tilespmem:$0xC600] =	vst v63  }
0x15: {  	_ =	swait.ge [sflag:s8], $0x1C00  }
0x16: {  	[sflag:s8] =	ssyncset.done $0x0  }
0x17: {  	s12 =	simm.s32 $0xA8;
	s13 =	simm.s32 $0x5600;
	[sflag:s8] =	ssyncadd.s32 $0xFFFFE400  }
0x18: {  	[tilespmem:s13], [sflag:$0x1] =	stream.indirect.gather [hbm4b:s2+s6], $0x80, s12, s6, $0xb8;
	[tilespmem:$0xC600] =	vst v63  }
0x19: {  	_ =	swait.ge [sflag:s8], $0x1C00  }
0x1a: {  	[sflag:s8] =	ssyncset.done $0x0  }
0x1b: {  	s14 =	simm.s32 $0xE0;
	s15 =	simm.s32 $0x7200;
	[sflag:s8] =	ssyncadd.s32 $0xFFFFE400  }
0x1c: {  	[tilespmem:s15], [sflag:$0x1] =	stream.indirect.gather [hbm4b:s2+s6], $0x80, s14, s6, $0xb8;
	[tilespmem:$0xC600] =	vst v63  }
0x1d: {  	_ =	swait.ge [sflag:s8], $0x1C00  }
0x1e: {  	s16 =	simm.s32 $0x118;
	s17 =	simm.s32 $0x8E00;
	[sflag:s8] =	ssyncset.done $0x0  }
0x1f: {  	s22 =	ssub.s32 $0x2, s18;
	s18 =	simm.s32 $0x150;
	[sflag:s8] =	ssyncadd.s32 $0xFFFFE400  }
0x20: {  	[tilespmem:s17], [sflag:$0x1] =	stream.indirect.gather [hbm4b:s2+s6], $0x80, s16, s6, $0xb8;
	[tilespmem:$0xC600] =	vst v63  }
0x21: {  	s21 =	smul.u32 $0x1880, s19;
	s23 =	sshrl.u32 s22, $0x1;
	_ =	swait.ge [sflag:s8], $0x1C00  }
0x22: {  	s19 =	simm.s32 $0xAA00;
	s31 =	ssub.s32 s22, s23;
	[sflag:s8] =	ssyncset.done $0x0  }
0x23: {  	s20 =	sadd.s32 s21, s20;
	s21 =	smax.u32 s31, $0x1;
	[sflag:s8] =	ssyncadd.s32 $0xFFFFE400  }
0x24: {  	[tilespmem:s19], [sflag:$0x1] =	stream.indirect.gather [hbm4b:s2+s6], $0x80, s18, s6, $0xb8;
	[tilespmem:$0xC600] =	vst v63  }
0x25: {  	p0 =	sne.s32 s21, $0x1;
	_ =	swait.ge [sflag:s8], $0x1C00  }
.Ltmp0:
0x26: {  	[sflag:s8] =	ssyncset.done $0x0;
	(pc) =	sbr.rel @!p0 .LBB2_2-.Ltmp0, $4  }
0x27: {  	s20 =	sadd.s32 $0x1000, s20;
	[sflag:s8] =	ssyncadd.s32 $0xFFFFE400  }
0x28: {  	[hbm4b:s20+s3] =	stream.linear.scatter [tilespmem:s7], [sflag:$0x2], $0xC400, $0x38;
	[tilespmem:$0xC600] =	vst v63  }
0x29: {  	_ =	swait.ge [sflag:s4], $0xC400  }
0x2a: {  	s21 =	sadd.s32 $0xFFFFFFFF, s21;
	[sflag:s4] =	ssyncset.done $0x0  }
.LBB2_1:
0x2b: {  	p0 =	sne.s32 s21, $0x1;
	s21 =	sadd.s32 $0xFFFFFFFF, s21;
	[sflag:s4] =	ssyncadd.s32 $0xFFFF3C00  }
0x2c: {  	[tilespmem:s3], [sflag:$0x2] =	stream.linear.gather [hbm4b:s5+s3], $0x188, $0x38;
	[tilespmem:$0xC600] =	vst v63  }
0x2d: {  	_ =	swait.ge [sflag:s4], $0x188  }
0x2e: {  	[sflag:s4] =	ssyncset.done $0x0  }
0x2f: {  	[sflag:s4] =	ssyncadd.s32 $0xFFFFFE78  }
0x30: {  	[tilespmem:s7], [sflag:$0x1] =	stream.indirect.gather [hbm4b:s2+s6], $0x80, s3, s6, $0xb8;
	[tilespmem:$0xC600] =	vst v63  }
0x31: {  	_ =	swait.ge [sflag:s8], $0x1C00  }
0x32: {  	[sflag:s8] =	ssyncset.done $0x0  }
0x33: {  	[sflag:s8] =	ssyncadd.s32 $0xFFFFE400  }
0x34: {  	[tilespmem:s9], [sflag:$0x1] =	stream.indirect.gather [hbm4b:s2+s6], $0x80, s6, s6, $0xb8;
	[tilespmem:$0xC600] =	vst v63  }
0x35: {  	_ =	swait.ge [sflag:s8], $0x1C00  }
0x36: {  	[sflag:s8] =	ssyncset.done $0x0  }
0x37: {  	[sflag:s8] =	ssyncadd.s32 $0xFFFFE400  }
0x38: {  	[tilespmem:s11], [sflag:$0x1] =	stream.indirect.gather [hbm4b:s2+s6], $0x80, s10, s6, $0xb8;
	[tilespmem:$0xC600] =	vst v63  }
0x39: {  	_ =	swait.ge [sflag:s8], $0x1C00  }
0x3a: {  	[sflag:s8] =	ssyncset.done $0x0  }
0x3b: {  	[sflag:s8] =	ssyncadd.s32 $0xFFFFE400  }
0x3c: {  	[tilespmem:s13], [sflag:$0x1] =	stream.indirect.gather [hbm4b:s2+s6], $0x80, s12, s6, $0xb8;
	[tilespmem:$0xC600] =	vst v63  }
0x3d: {  	_ =	swait.ge [sflag:s8], $0x1C00  }
0x3e: {  	[sflag:s8] =	ssyncset.done $0x0  }
0x3f: {  	[sflag:s8] =	ssyncadd.s32 $0xFFFFE400  }
0x40: {  	[tilespmem:s15], [sflag:$0x1] =	stream.indirect.gather [hbm4b:s2+s6], $0x80, s14, s6, $0xb8;
	[tilespmem:$0xC600] =	vst v63  }
0x41: {  	_ =	swait.ge [sflag:s8], $0x1C00  }
0x42: {  	[sflag:s8] =	ssyncset.done $0x0  }
0x43: {  	[sflag:s8] =	ssyncadd.s32 $0xFFFFE400  }
0x44: {  	[tilespmem:s17], [sflag:$0x1] =	stream.indirect.gather [hbm4b:s2+s6], $0x80, s16, s6, $0xb8;
	[tilespmem:$0xC600] =	vst v63  }
0x45: {  	_ =	swait.ge [sflag:s8], $0x1C00  }
0x46: {  	[sflag:s8] =	ssyncset.done $0x0  }
0x47: {  	[sflag:s8] =	ssyncadd.s32 $0xFFFFE400  }
0x48: {  	[tilespmem:s19], [sflag:$0x1] =	stream.indirect.gather [hbm4b:s2+s6], $0x80, s18, s6, $0xb8;
	[tilespmem:$0xC600] =	vst v63  }
0x49: {  	_ =	swait.ge [sflag:s8], $0x1C00  }
.Ltmp1:
0x4a: {  	[sflag:s8] =	ssyncset.done $0x0;
	(pc) =	sbr.rel @p0 .LBB2_1-.Ltmp1, $4  }
0x4b: {  	[sflag:s8] =	ssyncadd.s32 $0xFFFFE400  }
0x4c: {  	[hbm4b:s20+s3] =	stream.linear.scatter [tilespmem:s7], [sflag:$0x2], $0xC400, $0x38;
	[tilespmem:$0xC600] =	vst v63  }
0x4d: {  	_ =	swait.ge [sflag:s4], $0xC400  }
0x4e: {  	[sflag:s4] =	ssyncset.done $0x0  }
.LBB2_2:
0x4f: {  	[sflag:s4] =	ssyncadd.s32 $0xFFFF3C00  }
0x50: {  	_ =	sfence.sel $0x180000  }
0x51: {  	[bflag:$0x0] =	sbarrier.arrive $0xFFFF  }
0x52: {  	p0 =	sne.s32 s0, $0x0;
	_ =	strace $0x90000047  }
0x53: {  	s0 =	sadd.s32 @!p0 $0x100000, s1;
	[bflag:$0x2] =	sbarrier.arrive $0xFFFF  }
0x54: {  	[sflag:s0] =	ssyncadd.tile.s32 @!p0 $0x1;
	_ =	shalt  }
.Lfunc_end2:
_tile_overlayer_lowered:
.L_overlay_start_2:
0x55: {  	(tag) =	ssettag $0x2  }
0x56: {  	s0 =	rddreg [dreg:$0x0];
	s2 =	stileid.u32  }
0x57: {  	s1 =	rddreg [dreg:$0x1];
	p0 =	sne.s32 s2, $0x0  }
0x58: {  	s3 =	rddreg [dreg:$0x2];
	[bflag:$0x3] =	sbarrier.arrive $0xFFFF;
	s2 =	simm.s32 @!p0 $0x1C02  }
0x59: {  	[timem:s3], [sflag:s2] =	dma.local @!p0 [hbm:s0], s1  }
0x5a: {  	s0 =	simm.s32 @!p0 $0x2  }
0x5b: {  	_ =	swait.ge @!p0 [sflag:s0], s1  }
0x5c: {  	s1 =	ssub.s32 @!p0 $0x0, s1;
	[sflag:s0] =	ssyncset.done @!p0 $0x0  }
0x5d: {  	[sflag:s0] =	ssyncadd.s32 @!p0 s1  }
0x5e: {  	[bflag:$0x3] =	sbarrier.arrive $0xFFFF  }
0x5f: {  	_ =	shalt  }

</sc_bundles>
